<compile_context>
chip_gen: v7x
topology: tpu7x:2x2x1
jax: 0.10.2.dev20260603
libtpu: 0.0.44.dev20260713+nightly
codegen_flags: <defaults>
</compile_context>

<pallas_src>
import functools
import math

import jax
import jax.numpy as jnp
from jax import lax
from jax.experimental import pallas as pl
from jax.experimental.pallas import tpu as pltpu
from jax.experimental.pallas import tpu_sc as plsc

FRE = 64
VOCAB = 100000
L = 200
LP = 208
NW = 32
GROUPS = LP // 16

_COS_COEFS = (0.999959, -19.7309418, 64.6714401, -82.3907776, 45.6209869)


def _cos2pi(y):
    r = y - jnp.round(y)
    u = r * r
    acc = jnp.full_like(u, _COS_COEFS[-1])
    for coef in _COS_COEFS[-2::-1]:
        acc = acc * u + coef
    return acc


def _sc_body(src_hbm, dst_hbm, zeros_hbm, n_ss_hbm, n_sd_hbm, n_ds_hbm, n_dd_hbm,
             table, sv, dv, b_ss, b_sd, b_ds, b_dd):
    wid = lax.axis_index("s") * 2 + lax.axis_index("c")
    rows = sv.shape[0]
    pltpu.sync_copy(zeros_hbm, table)
    pltpu.sync_copy(src_hbm.at[pl.ds(wid * rows, rows)], sv)
    pltpu.sync_copy(dst_hbm.at[pl.ds(wid * rows, rows)], dv)

    ones16 = jnp.ones((16,), jnp.float32)
    zeros16 = jnp.zeros((16,), jnp.float32)

    def row_body(i, _):
        row = wid * rows + i
        sidx = [sv[i, pl.ds(g * 16, 16)] for g in range(GROUPS)]
        didx = [dv[i, pl.ds(g * 16, 16)] for g in range(GROUPS)]
        masks_s = []
        masks_d = []
        for g in range(GROUPS):
            gpos = lax.iota(jnp.int32, 16) + g * 16
            valid = (gpos > 0) & (gpos < L)
            masks_s.append((sidx[g] != 0) & valid)
            masks_d.append((didx[g] != 0) & valid)

        for g in range(GROUPS):
            plsc.addupdate_scatter(table, [sidx[g]], ones16)
        sum_ss = zeros16
        sum_ds = zeros16
        for g in range(GROUPS):
            c_ss = jnp.where(masks_s[g], plsc.load_gather(table, [sidx[g]]), 0.0)
            c_ds = jnp.where(masks_d[g], plsc.load_gather(table, [didx[g]]), 0.0)
            b_ss[pl.ds(g * 16, 16)] = c_ss
            b_ds[pl.ds(g * 16, 16)] = c_ds
            sum_ss = sum_ss + c_ss
            sum_ds = sum_ds + c_ds
        for g in range(GROUPS):
            plsc.store_scatter(table, [sidx[g]], zeros16)

        for g in range(GROUPS):
            plsc.addupdate_scatter(table, [didx[g]], ones16)
        sum_sd = zeros16
        sum_dd = zeros16
        for g in range(GROUPS):
            c_sd = jnp.where(masks_s[g], plsc.load_gather(table, [sidx[g]]), 0.0)
            c_dd = jnp.where(masks_d[g], plsc.load_gather(table, [didx[g]]), 0.0)
            b_sd[pl.ds(g * 16, 16)] = c_sd
            b_dd[pl.ds(g * 16, 16)] = c_dd
            sum_sd = sum_sd + c_sd
            sum_dd = sum_dd + c_dd
        for g in range(GROUPS):
            plsc.store_scatter(table, [didx[g]], zeros16)

        def invtotal(v):
            return 1.0 / (lax.broadcast(jnp.sum(v), (16,)) + 1e-5)

        inv_ss = invtotal(sum_ss)
        inv_sd = invtotal(sum_sd)
        inv_ds = invtotal(sum_ds)
        inv_dd = invtotal(sum_dd)
        for g in range(GROUPS):
            sl = pl.ds(g * 16, 16)
            b_ss[sl] = b_ss[sl] * inv_ss
            b_sd[sl] = b_sd[sl] * inv_sd
            b_ds[sl] = b_ds[sl] * inv_ds
            b_dd[sl] = b_dd[sl] * inv_dd

        pltpu.sync_copy(b_ss.at[pl.ds(0, L)], n_ss_hbm.at[pl.ds(row * L, L)])
        pltpu.sync_copy(b_sd.at[pl.ds(0, L)], n_sd_hbm.at[pl.ds(row * L, L)])
        pltpu.sync_copy(b_ds.at[pl.ds(0, L)], n_ds_hbm.at[pl.ds(row * L, L)])
        pltpu.sync_copy(b_dd.at[pl.ds(0, L)], n_dd_hbm.at[pl.ds(row * L, L)])
        return 0

    lax.fori_loop(0, src_hbm.shape[0] // NW, row_body, 0)


def _feat_body(n_ss_ref, n_sd_ref, n_ds_ref, n_dd_ref, w3_ref, sf_ref, df_ref):
    lane = jax.lax.broadcasted_iota(jnp.int32, (1, FRE), 1).astype(jnp.float32) + 1.0
    c3 = (w3_ref[0:1, :] * lane).reshape(1, 1, FRE)

    def feat(n_a, n_b):
        x = jnp.concatenate([n_a[:, :, None] * c3, n_b[:, :, None] * c3], axis=-1)
        cz = _cos2pi(x)
        return cz[:, :, :FRE] + cz[:, :, FRE:]

    sf_ref[...] = feat(n_ss_ref[...], n_sd_ref[...])
    df_ref[...] = feat(n_ds_ref[...], n_dd_ref[...])


def kernel(src_padded_nodes_neighbor_ids, dst_padded_nodes_neighbor_ids, w3):
    src = src_padded_nodes_neighbor_ids
    dst = dst_padded_nodes_neighbor_ids
    B = src.shape[0]
    pad = jnp.zeros((B, LP - L), jnp.int32)
    srcp = jnp.concatenate([src, pad], axis=1)
    dstp = jnp.concatenate([dst, pad], axis=1)
    zeros_tab = jnp.zeros((VOCAB,), jnp.float32)
    rows = B // NW

    mesh = plsc.VectorSubcoreMesh(core_axis_name="c", subcore_axis_name="s")
    sc = pl.kernel(
        _sc_body,
        mesh=mesh,
        compiler_params=pltpu.CompilerParams(
            needs_layout_passes=False, use_tc_tiling_on_sc=False
        ),
        out_type=[jax.ShapeDtypeStruct((B * L,), jnp.float32) for _ in range(4)],
        scratch_types=[
            pltpu.VMEM((VOCAB,), jnp.float32),
            pltpu.VMEM((rows, LP), jnp.int32),
            pltpu.VMEM((rows, LP), jnp.int32),
            pltpu.VMEM((LP,), jnp.float32),
            pltpu.VMEM((LP,), jnp.float32),
            pltpu.VMEM((LP,), jnp.float32),
            pltpu.VMEM((LP,), jnp.float32),
        ],
    )
    n_flat = sc(srcp, dstp, zeros_tab)
    n2d = [a.reshape(B * L // 128, 128) for a in n_flat]

    RB = 40
    R = B * L // 128
    grid = R // RB
    w3b = jnp.broadcast_to(w3[None, :], (8, FRE))
    sf, df = pl.pallas_call(
        _feat_body,
        grid=(grid,),
        in_specs=[
            pl.BlockSpec((RB, 128), lambda i: (i, 0)),
            pl.BlockSpec((RB, 128), lambda i: (i, 0)),
            pl.BlockSpec((RB, 128), lambda i: (i, 0)),
            pl.BlockSpec((RB, 128), lambda i: (i, 0)),
            pl.BlockSpec((8, FRE), lambda i: (0, 0)),
        ],
        out_specs=[
            pl.BlockSpec((RB, 128, FRE), lambda i: (i, 0, 0)),
            pl.BlockSpec((RB, 128, FRE), lambda i: (i, 0, 0)),
        ],
        out_shape=[
            jax.ShapeDtypeStruct((R, 128, FRE), jnp.float32),
            jax.ShapeDtypeStruct((R, 128, FRE), jnp.float32),
        ],
        compiler_params=pltpu.CompilerParams(dimension_semantics=("arbitrary",)),
    )(*n2d, w3b)
    return (sf.reshape(B, L, FRE), df.reshape(B, L, FRE))

# --- scband reference (transcript-rebuilt; emitter-appended) ---
"""Pipeline reference for scband-temporal-graph-38869454028909 (READ-ONLY COPY).

The authoritative reference and input builder live on the scoring server;
editing this copy changes nothing except your own understanding.
"""

import jax, jax.numpy as jnp
import numpy as np
import math

FRE_DIM = 64
BATCH = 1024
SEQ = 200
VOCAB = 100000


def setup_inputs(seed: int = 0) -> dict:
    key = jax.random.key(seed)
    k1, k2 = jax.random.split(key)
    src_ids = jax.random.randint(k1, (BATCH, SEQ), 0, VOCAB, dtype=jnp.int64 if jax.config.read('jax_enable_x64') else jnp.int32).astype(jnp.int32)
    dst_ids = jax.random.randint(k2, (BATCH, SEQ), 0, VOCAB, dtype=jnp.int32)
    # learned parameter of FrequencyEncoder (initialized to ones in torch)
    w3 = jnp.ones((FRE_DIM,), dtype=jnp.float32)
    return {"src_padded_nodes_neighbor_ids": src_ids, "dst_padded_nodes_neighbor_ids": dst_ids, "w3": w3}


def _frequency_encode(freq, w3, w2):
    # freq: (B, L) -> (B, L, D); cos((freq * w3) * w2)
    scaled = freq[:, :, None] * w3[None, None, :]
    return jnp.cos(scaled * w2[None, None, :])


def _count_appearances(src_ids, dst_ids):
    # per-row histogram counts via pairwise equality (faithful to np.unique counting)
    s_in_s = jnp.sum(src_ids[:, :, None] == src_ids[:, None, :], axis=-1).astype(jnp.float32)
    s_in_d = jnp.sum(src_ids[:, :, None] == dst_ids[:, None, :], axis=-1).astype(jnp.float32)
    d_in_d = jnp.sum(dst_ids[:, :, None] == dst_ids[:, None, :], axis=-1).astype(jnp.float32)
    d_in_s = jnp.sum(dst_ids[:, :, None] == src_ids[:, None, :], axis=-1).astype(jnp.float32)
    src_app = jnp.stack([s_in_s, s_in_d], axis=2)  # (B, L, 2)
    dst_app = jnp.stack([d_in_s, d_in_d], axis=2)
    # zero out padded entries (node id == 0)
    src_app = jnp.where((src_ids == 0)[:, :, None], 0.0, src_app)
    dst_app = jnp.where((dst_ids == 0)[:, :, None], 0.0, dst_app)
    return src_app, dst_app


def reference(src_padded_nodes_neighbor_ids, dst_padded_nodes_neighbor_ids, w3):
    src_ids = src_padded_nodes_neighbor_ids
    dst_ids = dst_padded_nodes_neighbor_ids
    w2 = 2.0 * math.pi * jnp.arange(1, FRE_DIM + 1, dtype=jnp.float32)
    src_app, dst_app = _count_appearances(src_ids, dst_ids)
    # zero the first sequence position, as in forward()
    src_app = src_app.at[:, 0, :].set(0.0)
    dst_app = dst_app.at[:, 0, :].set(0.0)
    def norm(x):
        return x / (jnp.sum(x, axis=-1, keepdims=True) + 1e-05)
    src_f1 = _frequency_encode(norm(src_app[:, :, 0]), w3, w2)
    src_f2 = _frequency_encode(norm(src_app[:, :, 1]), w3, w2)
    dst_f1 = _frequency_encode(norm(dst_app[:, :, 0]), w3, w2)
    dst_f2 = _frequency_encode(norm(dst_app[:, :, 1]), w3, w2)
    src_features = src_f1 + src_f2
    dst_features = dst_f1 + dst_f2
    return (src_features, dst_features)

if __name__ == "__main__":
    import jax
    _d = setup_inputs()
    print(jax.jit(kernel)(*tuple(_d.values())))

</pallas_src>

<mosaic_0001>
#map = affine_map<(d0, d1) -> (0, 0)>
#map1 = affine_map<(d0, d1) -> (0)>
module attributes {stable_mosaic.version = 14 : i64} {
  func.func @_sc_body(%arg0: i32, %arg1: i32, %arg2: memref<1024x208xi32, #tpu.memory_space<hbm>>, %arg3: memref<1024x208xi32, #tpu.memory_space<hbm>>, %arg4: memref<100000xf32, #tpu.memory_space<hbm>>, %arg5: memref<204800xf32, #tpu.memory_space<hbm>>, %arg6: memref<204800xf32, #tpu.memory_space<hbm>>, %arg7: memref<204800xf32, #tpu.memory_space<hbm>>, %arg8: memref<204800xf32, #tpu.memory_space<hbm>>, %arg9: memref<100000xf32, #tpu.memory_space<vmem>>, %arg10: memref<32x208xi32, #tpu.memory_space<vmem>>, %arg11: memref<32x208xi32, #tpu.memory_space<vmem>>, %arg12: memref<208xf32, #tpu.memory_space<vmem>>, %arg13: memref<208xf32, #tpu.memory_space<vmem>>, %arg14: memref<208xf32, #tpu.memory_space<vmem>>, %arg15: memref<208xf32, #tpu.memory_space<vmem>>) attributes {dimension_semantics = [#tpu.dimension_semantics<core_parallel>, #tpu.dimension_semantics<subcore_parallel>], iteration_bounds = array<i64: 2, 16>, scalar_prefetch = 0 : i64, scratch_operands = 7 : i64, tpu.core_type = #tpu.core_type<sc_vector_subcore>, window_params = [{transform_indices = #map}, {transform_indices = #map}, {transform_indices = #map1}, {transform_indices = #map1}, {transform_indices = #map1}, {transform_indices = #map1}, {transform_indices = #map1}]} {
    %mul3A = arith.constant 2 : i32
    %mul3A_0 = arith.muli %arg1, %mul3A : i32
    %add3A = arith.addi %mul3A_0, %arg0 : i32
    "tpu.region"() ({
      %run_scoped3A = tpu.sem_alloc : memref<!tpu.dma_semaphore, #tpu.memory_space<semaphore_mem>>
      tpu.enqueue_dma source(%arg4 : memref<100000xf32, #tpu.memory_space<hbm>>) target(%arg9 : memref<100000xf32, #tpu.memory_space<vmem>>) target_semaphore(%run_scoped3A : memref<!tpu.dma_semaphore, #tpu.memory_space<semaphore_mem>>)
      tpu.wait_dma2 semaphore(%run_scoped3A : memref<!tpu.dma_semaphore, #tpu.memory_space<semaphore_mem>>) src(%arg4 : memref<100000xf32, #tpu.memory_space<hbm>>) dst(%arg9 : memref<100000xf32, #tpu.memory_space<vmem>>)
      tpu.yield
    }) : () -> ()
    %mul3A_1 = arith.constant 32 : i32
    %mul3A_2 = arith.muli %add3A, %mul3A_1 : i32
    "tpu.region"() ({
      %run_scoped3A = tpu.sem_alloc : memref<!tpu.dma_semaphore, #tpu.memory_space<semaphore_mem>>
      %dma_start3A = arith.constant 0 : i32
      %dma_start3A_14 = tpu.memref_slice %arg2[%mul3A_2, %dma_start3A] : memref<1024x208xi32, #tpu.memory_space<hbm>> -> memref<32x208xi32, #tpu.memory_space<hbm>>
      %dma_start3A_15 = arith.constant 0 : i32
      %dma_start3A_16 = tpu.memref_slice %arg2[%mul3A_2, %dma_start3A_15] : memref<1024x208xi32, #tpu.memory_space<hbm>> -> memref<32x208xi32, #tpu.memory_space<hbm>>
      tpu.enqueue_dma source(%dma_start3A_16 : memref<32x208xi32, #tpu.memory_space<hbm>>) target(%arg10 : memref<32x208xi32, #tpu.memory_space<vmem>>) target_semaphore(%run_scoped3A : memref<!tpu.dma_semaphore, #tpu.memory_space<semaphore_mem>>)
      %dma_wait3A = arith.constant 0 : i32
      %dma_wait3A_17 = tpu.memref_slice %arg2[%mul3A_2, %dma_wait3A] : memref<1024x208xi32, #tpu.memory_space<hbm>> -> memref<32x208xi32, #tpu.memory_space<hbm>>
      %dma_wait3A_18 = arith.constant 0 : i32
      %dma_wait3A_19 = tpu.memref_slice %arg2[%mul3A_2, %dma_wait3A_18] : memref<1024x208xi32, #tpu.memory_space<hbm>> -> memref<32x208xi32, #tpu.memory_space<hbm>>
      tpu.wait_dma2 semaphore(%run_scoped3A : memref<!tpu.dma_semaphore, #tpu.memory_space<semaphore_mem>>) src(%dma_wait3A_19 : memref<32x208xi32, #tpu.memory_space<hbm>>) dst(%arg10 : memref<32x208xi32, #tpu.memory_space<vmem>>)
      tpu.yield
    }) : () -> ()
    %mul3A_3 = arith.constant 32 : i32
    %mul3A_4 = arith.muli %add3A, %mul3A_3 : i32
    "tpu.region"() ({
      %run_scoped3A = tpu.sem_alloc : memref<!tpu.dma_semaphore, #tpu.memory_space<semaphore_mem>>
      %dma_start3A = arith.constant 0 : i32
      %dma_start3A_14 = tpu.memref_slice %arg3[%mul3A_4, %dma_start3A] : memref<1024x208xi32, #tpu.memory_space<hbm>> -> memref<32x208xi32, #tpu.memory_space<hbm>>
      %dma_start3A_15 = arith.constant 0 : i32
      %dma_start3A_16 = tpu.memref_slice %arg3[%mul3A_4, %dma_start3A_15] : memref<1024x208xi32, #tpu.memory_space<hbm>> -> memref<32x208xi32, #tpu.memory_space<hbm>>
      tpu.enqueue_dma source(%dma_start3A_16 : memref<32x208xi32, #tpu.memory_space<hbm>>) target(%arg11 : memref<32x208xi32, #tpu.memory_space<vmem>>) target_semaphore(%run_scoped3A : memref<!tpu.dma_semaphore, #tpu.memory_space<semaphore_mem>>)
      %dma_wait3A = arith.constant 0 : i32
      %dma_wait3A_17 = tpu.memref_slice %arg3[%mul3A_4, %dma_wait3A] : memref<1024x208xi32, #tpu.memory_space<hbm>> -> memref<32x208xi32, #tpu.memory_space<hbm>>
      %dma_wait3A_18 = arith.constant 0 : i32
      %dma_wait3A_19 = tpu.memref_slice %arg3[%mul3A_4, %dma_wait3A_18] : memref<1024x208xi32, #tpu.memory_space<hbm>> -> memref<32x208xi32, #tpu.memory_space<hbm>>
      tpu.wait_dma2 semaphore(%run_scoped3A : memref<!tpu.dma_semaphore, #tpu.memory_space<semaphore_mem>>) src(%dma_wait3A_19 : memref<32x208xi32, #tpu.memory_space<hbm>>) dst(%arg11 : memref<32x208xi32, #tpu.memory_space<vmem>>)
      tpu.yield
    }) : () -> ()
    %broadcast_in_dim3A = arith.constant 1.000000e+00 : f32
    %broadcast_in_dim3A_5 = vector.broadcast %broadcast_in_dim3A : f32 to vector<16xf32>
    %broadcast_in_dim3A_6 = arith.constant 0.000000e+00 : f32
    %broadcast_in_dim3A_7 = vector.broadcast %broadcast_in_dim3A_6 : f32 to vector<16xf32>
    %scan3A = arith.constant 0 : i32
    %scan3A_8 = arith.constant 0 : i32
    %scan3A_9 = arith.constant 32 : i32
    %scan3A_10 = arith.addi %scan3A_8, %scan3A_9 : i32
    %scan3A_11 = arith.constant 1 : i32
    %scan3A_12 = scf.for %scan3A_14 = %scan3A_8 to %scan3A_10 step %scan3A_11 iter_args(%scan3A_15 = %scan3A) -> (i32)  : i32 {
      %mul3A_16 = arith.constant 32 : i32
      %mul3A_17 = arith.muli %add3A, %mul3A_16 : i32
      %add3A_18 = arith.addi %mul3A_17, %scan3A_14 : i32
      %get3A = arith.index_cast %scan3A_14 : i32 to index
      %get3A_19 = arith.constant 0 : index
      %get3A_20 = tpu.vector_load %arg10[%get3A, %get3A_19] {strides = array<i32>} : memref<32x208xi32, #tpu.memory_space<vmem>>, vector<16xi32>,
      %get3A_21 = arith.index_cast %scan3A_14 : i32 to index
      %get3A_22 = arith.constant 16 : index
      %get3A_23 = tpu.vector_load %arg10[%get3A_21, %get3A_22] {strides = array<i32>} : memref<32x208xi32, #tpu.memory_space<vmem>>, vector<16xi32>,
      %get3A_24 = arith.index_cast %scan3A_14 : i32 to index
      %get3A_25 = arith.constant 32 : index
      %get3A_26 = tpu.vector_load %arg10[%get3A_24, %get3A_25] {strides = array<i32>} : memref<32x208xi32, #tpu.memory_space<vmem>>, vector<16xi32>,
      %get3A_27 = arith.index_cast %scan3A_14 : i32 to index
      %get3A_28 = arith.constant 48 : index
      %get3A_29 = tpu.vector_load %arg10[%get3A_27, %get3A_28] {strides = array<i32>} : memref<32x208xi32, #tpu.memory_space<vmem>>, vector<16xi32>,
      %get3A_30 = arith.index_cast %scan3A_14 : i32 to index
      %get3A_31 = arith.constant 64 : index
      %get3A_32 = tpu.vector_load %arg10[%get3A_30, %get3A_31] {strides = array<i32>} : memref<32x208xi32, #tpu.memory_space<vmem>>, vector<16xi32>,
      %get3A_33 = arith.index_cast %scan3A_14 : i32 to index
      %get3A_34 = arith.constant 80 : index
      %get3A_35 = tpu.vector_load %arg10[%get3A_33, %get3A_34] {strides = array<i32>} : memref<32x208xi32, #tpu.memory_space<vmem>>, vector<16xi32>,
      %get3A_36 = arith.index_cast %scan3A_14 : i32 to index
      %get3A_37 = arith.constant 96 : index
      %get3A_38 = tpu.vector_load %arg10[%get3A_36, %get3A_37] {strides = array<i32>} : memref<32x208xi32, #tpu.memory_space<vmem>>, vector<16xi32>,
      %get3A_39 = arith.index_cast %scan3A_14 : i32 to index
      %get3A_40 = arith.constant 112 : index
      %get3A_41 = tpu.vector_load %arg10[%get3A_39, %get3A_40] {strides = array<i32>} : memref<32x208xi32, #tpu.memory_space<vmem>>, vector<16xi32>,
      %get3A_42 = arith.index_cast %scan3A_14 : i32 to index
      %get3A_43 = arith.constant 128 : index
      %get3A_44 = tpu.vector_load %arg10[%get3A_42, %get3A_43] {strides = array<i32>} : memref<32x208xi32, #tpu.memory_space<vmem>>, vector<16xi32>,
      %get3A_45 = arith.index_cast %scan3A_14 : i32 to index
      %get3A_46 = arith.constant 144 : index
      %get3A_47 = tpu.vector_load %arg10[%get3A_45, %get3A_46] {strides = array<i32>} : memref<32x208xi32, #tpu.memory_space<vmem>>, vector<16xi32>,
      %get3A_48 = arith.index_cast %scan3A_14 : i32 to index
      %get3A_49 = arith.constant 160 : index
      %get3A_50 = tpu.vector_load %arg10[%get3A_48, %get3A_49] {strides = array<i32>} : memref<32x208xi32, #tpu.memory_space<vmem>>, vector<16xi32>,
      %get3A_51 = arith.index_cast %scan3A_14 : i32 to index
      %get3A_52 = arith.constant 176 : index
      %get3A_53 = tpu.vector_load %arg10[%get3A_51, %get3A_52] {strides = array<i32>} : memref<32x208xi32, #tpu.memory_space<vmem>>, vector<16xi32>,
      %get3A_54 = arith.index_cast %scan3A_14 : i32 to index
      %get3A_55 = arith.constant 192 : index
      %get3A_56 = tpu.vector_load %arg10[%get3A_54, %get3A_55] {strides = array<i32>} : memref<32x208xi32, #tpu.memory_space<vmem>>, vector<16xi32>,
      %get3A_57 = arith.index_cast %scan3A_14 : i32 to index
      %get3A_58 = arith.constant 0 : index
      %get3A_59 = tpu.vector_load %arg11[%get3A_57, %get3A_58] {strides = array<i32>} : memref<32x208xi32, #tpu.memory_space<vmem>>, vector<16xi32>,
      %get3A_60 = arith.index_cast %scan3A_14 : i32 to index
      %get3A_61 = arith.constant 16 : index
      %get3A_62 = tpu.vector_load %arg11[%get3A_60, %get3A_61] {strides = array<i32>} : memref<32x208xi32, #tpu.memory_space<vmem>>, vector<16xi32>,
      %get3A_63 = arith.index_cast %scan3A_14 : i32 to index
      %get3A_64 = arith.constant 32 : index
      %get3A_65 = tpu.vector_load %arg11[%get3A_63, %get3A_64] {strides = array<i32>} : memref<32x208xi32, #tpu.memory_space<vmem>>, vector<16xi32>,
      %get3A_66 = arith.index_cast %scan3A_14 : i32 to index
      %get3A_67 = arith.constant 48 : index
      %get3A_68 = tpu.vector_load %arg11[%get3A_66, %get3A_67] {strides = array<i32>} : memref<32x208xi32, #tpu.memory_space<vmem>>, vector<16xi32>,
      %get3A_69 = arith.index_cast %scan3A_14 : i32 to index
      %get3A_70 = arith.constant 64 : index
      %get3A_71 = tpu.vector_load %arg11[%get3A_69, %get3A_70] {strides = array<i32>} : memref<32x208xi32, #tpu.memory_space<vmem>>, vector<16xi32>,
      %get3A_72 = arith.index_cast %scan3A_14 : i32 to index
      %get3A_73 = arith.constant 80 : index
      %get3A_74 = tpu.vector_load %arg11[%get3A_72, %get3A_73] {strides = array<i32>} : memref<32x208xi32, #tpu.memory_space<vmem>>, vector<16xi32>,
      %get3A_75 = arith.index_cast %scan3A_14 : i32 to index
      %get3A_76 = arith.constant 96 : index
      %get3A_77 = tpu.vector_load %arg11[%get3A_75, %get3A_76] {strides = array<i32>} : memref<32x208xi32, #tpu.memory_space<vmem>>, vector<16xi32>,
      %get3A_78 = arith.index_cast %scan3A_14 : i32 to index
      %get3A_79 = arith.constant 112 : index
      %get3A_80 = tpu.vector_load %arg11[%get3A_78, %get3A_79] {strides = array<i32>} : memref<32x208xi32, #tpu.memory_space<vmem>>, vector<16xi32>,
      %get3A_81 = arith.index_cast %scan3A_14 : i32 to index
      %get3A_82 = arith.constant 128 : index
      %get3A_83 = tpu.vector_load %arg11[%get3A_81, %get3A_82] {strides = array<i32>} : memref<32x208xi32, #tpu.memory_space<vmem>>, vector<16xi32>,
      %get3A_84 = arith.index_cast %scan3A_14 : i32 to index
      %get3A_85 = arith.constant 144 : index
      %get3A_86 = tpu.vector_load %arg11[%get3A_84, %get3A_85] {strides = array<i32>} : memref<32x208xi32, #tpu.memory_space<vmem>>, vector<16xi32>,
      %get3A_87 = arith.index_cast %scan3A_14 : i32 to index
      %get3A_88 = arith.constant 160 : index
      %get3A_89 = tpu.vector_load %arg11[%get3A_87, %get3A_88] {strides = array<i32>} : memref<32x208xi32, #tpu.memory_space<vmem>>, vector<16xi32>,
      %get3A_90 = arith.index_cast %scan3A_14 : i32 to index
      %get3A_91 = arith.constant 176 : index
      %get3A_92 = tpu.vector_load %arg11[%get3A_90, %get3A_91] {strides = array<i32>} : memref<32x208xi32, #tpu.memory_space<vmem>>, vector<16xi32>,
      %get3A_93 = arith.index_cast %scan3A_14 : i32 to index
      %get3A_94 = arith.constant 192 : index
      %get3A_95 = tpu.vector_load %arg11[%get3A_93, %get3A_94] {strides = array<i32>} : memref<32x208xi32, #tpu.memory_space<vmem>>, vector<16xi32>,
      %iota3A = tpu.iota {dimensions = array<i32: 0>} : vector<16xi32>
      %add3A_96 = arith.constant 0 : i32
      %add3A_97 = vector.broadcast %add3A_96 : i32 to vector<16xi32>
      %add3A_98 = arith.addi %iota3A, %add3A_97 : vector<16xi32>
      %gt3A = arith.constant 0 : i32
      %gt3A_99 = vector.broadcast %gt3A : i32 to vector<16xi32>
      %gt3A_100 = arith.cmpi sgt, %add3A_98, %gt3A_99 : vector<16xi32>
      %lt3A = arith.constant 200 : i32
      %lt3A_101 = vector.broadcast %lt3A : i32 to vector<16xi32>
      %lt3A_102 = arith.cmpi slt, %add3A_98, %lt3A_101 : vector<16xi32>
      %and3A = arith.andi %gt3A_100, %lt3A_102 : vector<16xi1>
      %ne3A = arith.constant 0 : i32
      %ne3A_103 = vector.broadcast %ne3A : i32 to vector<16xi32>
      %ne3A_104 = arith.cmpi ne, %get3A_20, %ne3A_103 : vector<16xi32>
      %and3A_105 = arith.andi %ne3A_104, %and3A : vector<16xi1>
      %ne3A_106 = arith.constant 0 : i32
      %ne3A_107 = vector.broadcast %ne3A_106 : i32 to vector<16xi32>
      %ne3A_108 = arith.cmpi ne, %get3A_59, %ne3A_107 : vector<16xi32>
      %and3A_109 = arith.andi %ne3A_108, %and3A : vector<16xi1>
      %iota3A_110 = tpu.iota {dimensions = array<i32: 0>} : vector<16xi32>
      %add3A_111 = arith.constant 16 : i32
      %add3A_112 = vector.broadcast %add3A_111 : i32 to vector<16xi32>
      %add3A_113 = arith.addi %iota3A_110, %add3A_112 : vector<16xi32>
      %gt3A_114 = arith.constant 0 : i32
      %gt3A_115 = vector.broadcast %gt3A_114 : i32 to vector<16xi32>
      %gt3A_116 = arith.cmpi sgt, %add3A_113, %gt3A_115 : vector<16xi32>
      %lt3A_117 = arith.constant 200 : i32
      %lt3A_118 = vector.broadcast %lt3A_117 : i32 to vector<16xi32>
      %lt3A_119 = arith.cmpi slt, %add3A_113, %lt3A_118 : vector<16xi32>
      %and3A_120 = arith.andi %gt3A_116, %lt3A_119 : vector<16xi1>
      %ne3A_121 = arith.constant 0 : i32
      %ne3A_122 = vector.broadcast %ne3A_121 : i32 to vector<16xi32>
      %ne3A_123 = arith.cmpi ne, %get3A_23, %ne3A_122 : vector<16xi32>
      %and3A_124 = arith.andi %ne3A_123, %and3A_120 : vector<16xi1>
      %ne3A_125 = arith.constant 0 : i32
      %ne3A_126 = vector.broadcast %ne3A_125 : i32 to vector<16xi32>
      %ne3A_127 = arith.cmpi ne, %get3A_62, %ne3A_126 : vector<16xi32>
      %and3A_128 = arith.andi %ne3A_127, %and3A_120 : vector<16xi1>
      %iota3A_129 = tpu.iota {dimensions = array<i32: 0>} : vector<16xi32>
      %add3A_130 = arith.constant 32 : i32
      %add3A_131 = vector.broadcast %add3A_130 : i32 to vector<16xi32>
      %add3A_132 = arith.addi %iota3A_129, %add3A_131 : vector<16xi32>
      %gt3A_133 = arith.constant 0 : i32
      %gt3A_134 = vector.broadcast %gt3A_133 : i32 to vector<16xi32>
      %gt3A_135 = arith.cmpi sgt, %add3A_132, %gt3A_134 : vector<16xi32>
      %lt3A_136 = arith.constant 200 : i32
      %lt3A_137 = vector.broadcast %lt3A_136 : i32 to vector<16xi32>
      %lt3A_138 = arith.cmpi slt, %add3A_132, %lt3A_137 : vector<16xi32>
      %and3A_139 = arith.andi %gt3A_135, %lt3A_138 : vector<16xi1>
      %ne3A_140 = arith.constant 0 : i32
      %ne3A_141 = vector.broadcast %ne3A_140 : i32 to vector<16xi32>
      %ne3A_142 = arith.cmpi ne, %get3A_26, %ne3A_141 : vector<16xi32>
      %and3A_143 = arith.andi %ne3A_142, %and3A_139 : vector<16xi1>
      %ne3A_144 = arith.constant 0 : i32
      %ne3A_145 = vector.broadcast %ne3A_144 : i32 to vector<16xi32>
      %ne3A_146 = arith.cmpi ne, %get3A_65, %ne3A_145 : vector<16xi32>
      %and3A_147 = arith.andi %ne3A_146, %and3A_139 : vector<16xi1>
      %iota3A_148 = tpu.iota {dimensions = array<i32: 0>} : vector<16xi32>
      %add3A_149 = arith.constant 48 : i32
      %add3A_150 = vector.broadcast %add3A_149 : i32 to vector<16xi32>
      %add3A_151 = arith.addi %iota3A_148, %add3A_150 : vector<16xi32>
      %gt3A_152 = arith.constant 0 : i32
      %gt3A_153 = vector.broadcast %gt3A_152 : i32 to vector<16xi32>
      %gt3A_154 = arith.cmpi sgt, %add3A_151, %gt3A_153 : vector<16xi32>
      %lt3A_155 = arith.constant 200 : i32
      %lt3A_156 = vector.broadcast %lt3A_155 : i32 to vector<16xi32>
      %lt3A_157 = arith.cmpi slt, %add3A_151, %lt3A_156 : vector<16xi32>
      %and3A_158 = arith.andi %gt3A_154, %lt3A_157 : vector<16xi1>
      %ne3A_159 = arith.constant 0 : i32
      %ne3A_160 = vector.broadcast %ne3A_159 : i32 to vector<16xi32>
      %ne3A_161 = arith.cmpi ne, %get3A_29, %ne3A_160 : vector<16xi32>
      %and3A_162 = arith.andi %ne3A_161, %and3A_158 : vector<16xi1>
      %ne3A_163 = arith.constant 0 : i32
      %ne3A_164 = vector.broadcast %ne3A_163 : i32 to vector<16xi32>
      %ne3A_165 = arith.cmpi ne, %get3A_68, %ne3A_164 : vector<16xi32>
      %and3A_166 = arith.andi %ne3A_165, %and3A_158 : vector<16xi1>
      %iota3A_167 = tpu.iota {dimensions = array<i32: 0>} : vector<16xi32>
      %add3A_168 = arith.constant 64 : i32
      %add3A_169 = vector.broadcast %add3A_168 : i32 to vector<16xi32>
      %add3A_170 = arith.addi %iota3A_167, %add3A_169 : vector<16xi32>
      %gt3A_171 = arith.constant 0 : i32
      %gt3A_172 = vector.broadcast %gt3A_171 : i32 to vector<16xi32>
      %gt3A_173 = arith.cmpi sgt, %add3A_170, %gt3A_172 : vector<16xi32>
      %lt3A_174 = arith.constant 200 : i32
      %lt3A_175 = vector.broadcast %lt3A_174 : i32 to vector<16xi32>
      %lt3A_176 = arith.cmpi slt, %add3A_170, %lt3A_175 : vector<16xi32>
      %and3A_177 = arith.andi %gt3A_173, %lt3A_176 : vector<16xi1>
      %ne3A_178 = arith.constant 0 : i32
      %ne3A_179 = vector.broadcast %ne3A_178 : i32 to vector<16xi32>
      %ne3A_180 = arith.cmpi ne, %get3A_32, %ne3A_179 : vector<16xi32>
      %and3A_181 = arith.andi %ne3A_180, %and3A_177 : vector<16xi1>
      %ne3A_182 = arith.constant 0 : i32
      %ne3A_183 = vector.broadcast %ne3A_182 : i32 to vector<16xi32>
      %ne3A_184 = arith.cmpi ne, %get3A_71, %ne3A_183 : vector<16xi32>
      %and3A_185 = arith.andi %ne3A_184, %and3A_177 : vector<16xi1>
      %iota3A_186 = tpu.iota {dimensions = array<i32: 0>} : vector<16xi32>
      %add3A_187 = arith.constant 80 : i32
      %add3A_188 = vector.broadcast %add3A_187 : i32 to vector<16xi32>
      %add3A_189 = arith.addi %iota3A_186, %add3A_188 : vector<16xi32>
      %gt3A_190 = arith.constant 0 : i32
      %gt3A_191 = vector.broadcast %gt3A_190 : i32 to vector<16xi32>
      %gt3A_192 = arith.cmpi sgt, %add3A_189, %gt3A_191 : vector<16xi32>
      %lt3A_193 = arith.constant 200 : i32
      %lt3A_194 = vector.broadcast %lt3A_193 : i32 to vector<16xi32>
      %lt3A_195 = arith.cmpi slt, %add3A_189, %lt3A_194 : vector<16xi32>
      %and3A_196 = arith.andi %gt3A_192, %lt3A_195 : vector<16xi1>
      %ne3A_197 = arith.constant 0 : i32
      %ne3A_198 = vector.broadcast %ne3A_197 : i32 to vector<16xi32>
      %ne3A_199 = arith.cmpi ne, %get3A_35, %ne3A_198 : vector<16xi32>
      %and3A_200 = arith.andi %ne3A_199, %and3A_196 : vector<16xi1>
      %ne3A_201 = arith.constant 0 : i32
      %ne3A_202 = vector.broadcast %ne3A_201 : i32 to vector<16xi32>
      %ne3A_203 = arith.cmpi ne, %get3A_74, %ne3A_202 : vector<16xi32>
      %and3A_204 = arith.andi %ne3A_203, %and3A_196 : vector<16xi1>
      %iota3A_205 = tpu.iota {dimensions = array<i32: 0>} : vector<16xi32>
      %add3A_206 = arith.constant 96 : i32
      %add3A_207 = vector.broadcast %add3A_206 : i32 to vector<16xi32>
      %add3A_208 = arith.addi %iota3A_205, %add3A_207 : vector<16xi32>
      %gt3A_209 = arith.constant 0 : i32
      %gt3A_210 = vector.broadcast %gt3A_209 : i32 to vector<16xi32>
      %gt3A_211 = arith.cmpi sgt, %add3A_208, %gt3A_210 : vector<16xi32>
      %lt3A_212 = arith.constant 200 : i32
      %lt3A_213 = vector.broadcast %lt3A_212 : i32 to vector<16xi32>
      %lt3A_214 = arith.cmpi slt, %add3A_208, %lt3A_213 : vector<16xi32>
      %and3A_215 = arith.andi %gt3A_211, %lt3A_214 : vector<16xi1>
      %ne3A_216 = arith.constant 0 : i32
      %ne3A_217 = vector.broadcast %ne3A_216 : i32 to vector<16xi32>
      %ne3A_218 = arith.cmpi ne, %get3A_38, %ne3A_217 : vector<16xi32>
      %and3A_219 = arith.andi %ne3A_218, %and3A_215 : vector<16xi1>
      %ne3A_220 = arith.constant 0 : i32
      %ne3A_221 = vector.broadcast %ne3A_220 : i32 to vector<16xi32>
      %ne3A_222 = arith.cmpi ne, %get3A_77, %ne3A_221 : vector<16xi32>
      %and3A_223 = arith.andi %ne3A_222, %and3A_215 : vector<16xi1>
      %iota3A_224 = tpu.iota {dimensions = array<i32: 0>} : vector<16xi32>
      %add3A_225 = arith.constant 112 : i32
      %add3A_226 = vector.broadcast %add3A_225 : i32 to vector<16xi32>
      %add3A_227 = arith.addi %iota3A_224, %add3A_226 : vector<16xi32>
      %gt3A_228 = arith.constant 0 : i32
      %gt3A_229 = vector.broadcast %gt3A_228 : i32 to vector<16xi32>
      %gt3A_230 = arith.cmpi sgt, %add3A_227, %gt3A_229 : vector<16xi32>
      %lt3A_231 = arith.constant 200 : i32
      %lt3A_232 = vector.broadcast %lt3A_231 : i32 to vector<16xi32>
      %lt3A_233 = arith.cmpi slt, %add3A_227, %lt3A_232 : vector<16xi32>
      %and3A_234 = arith.andi %gt3A_230, %lt3A_233 : vector<16xi1>
      %ne3A_235 = arith.constant 0 : i32
      %ne3A_236 = vector.broadcast %ne3A_235 : i32 to vector<16xi32>
      %ne3A_237 = arith.cmpi ne, %get3A_41, %ne3A_236 : vector<16xi32>
      %and3A_238 = arith.andi %ne3A_237, %and3A_234 : vector<16xi1>
      %ne3A_239 = arith.constant 0 : i32
      %ne3A_240 = vector.broadcast %ne3A_239 : i32 to vector<16xi32>
      %ne3A_241 = arith.cmpi ne, %get3A_80, %ne3A_240 : vector<16xi32>
      %and3A_242 = arith.andi %ne3A_241, %and3A_234 : vector<16xi1>
      %iota3A_243 = tpu.iota {dimensions = array<i32: 0>} : vector<16xi32>
      %add3A_244 = arith.constant 128 : i32
      %add3A_245 = vector.broadcast %add3A_244 : i32 to vector<16xi32>
      %add3A_246 = arith.addi %iota3A_243, %add3A_245 : vector<16xi32>
      %gt3A_247 = arith.constant 0 : i32
      %gt3A_248 = vector.broadcast %gt3A_247 : i32 to vector<16xi32>
      %gt3A_249 = arith.cmpi sgt, %add3A_246, %gt3A_248 : vector<16xi32>
      %lt3A_250 = arith.constant 200 : i32
      %lt3A_251 = vector.broadcast %lt3A_250 : i32 to vector<16xi32>
      %lt3A_252 = arith.cmpi slt, %add3A_246, %lt3A_251 : vector<16xi32>
      %and3A_253 = arith.andi %gt3A_249, %lt3A_252 : vector<16xi1>
      %ne3A_254 = arith.constant 0 : i32
      %ne3A_255 = vector.broadcast %ne3A_254 : i32 to vector<16xi32>
      %ne3A_256 = arith.cmpi ne, %get3A_44, %ne3A_255 : vector<16xi32>
      %and3A_257 = arith.andi %ne3A_256, %and3A_253 : vector<16xi1>
      %ne3A_258 = arith.constant 0 : i32
      %ne3A_259 = vector.broadcast %ne3A_258 : i32 to vector<16xi32>
      %ne3A_260 = arith.cmpi ne, %get3A_83, %ne3A_259 : vector<16xi32>
      %and3A_261 = arith.andi %ne3A_260, %and3A_253 : vector<16xi1>
      %iota3A_262 = tpu.iota {dimensions = array<i32: 0>} : vector<16xi32>
      %add3A_263 = arith.constant 144 : i32
      %add3A_264 = vector.broadcast %add3A_263 : i32 to vector<16xi32>
      %add3A_265 = arith.addi %iota3A_262, %add3A_264 : vector<16xi32>
      %gt3A_266 = arith.constant 0 : i32
      %gt3A_267 = vector.broadcast %gt3A_266 : i32 to vector<16xi32>
      %gt3A_268 = arith.cmpi sgt, %add3A_265, %gt3A_267 : vector<16xi32>
      %lt3A_269 = arith.constant 200 : i32
      %lt3A_270 = vector.broadcast %lt3A_269 : i32 to vector<16xi32>
      %lt3A_271 = arith.cmpi slt, %add3A_265, %lt3A_270 : vector<16xi32>
      %and3A_272 = arith.andi %gt3A_268, %lt3A_271 : vector<16xi1>
      %ne3A_273 = arith.constant 0 : i32
      %ne3A_274 = vector.broadcast %ne3A_273 : i32 to vector<16xi32>
      %ne3A_275 = arith.cmpi ne, %get3A_47, %ne3A_274 : vector<16xi32>
      %and3A_276 = arith.andi %ne3A_275, %and3A_272 : vector<16xi1>
      %ne3A_277 = arith.constant 0 : i32
      %ne3A_278 = vector.broadcast %ne3A_277 : i32 to vector<16xi32>
      %ne3A_279 = arith.cmpi ne, %get3A_86, %ne3A_278 : vector<16xi32>
      %and3A_280 = arith.andi %ne3A_279, %and3A_272 : vector<16xi1>
      %iota3A_281 = tpu.iota {dimensions = array<i32: 0>} : vector<16xi32>
      %add3A_282 = arith.constant 160 : i32
      %add3A_283 = vector.broadcast %add3A_282 : i32 to vector<16xi32>
      %add3A_284 = arith.addi %iota3A_281, %add3A_283 : vector<16xi32>
      %gt3A_285 = arith.constant 0 : i32
      %gt3A_286 = vector.broadcast %gt3A_285 : i32 to vector<16xi32>
      %gt3A_287 = arith.cmpi sgt, %add3A_284, %gt3A_286 : vector<16xi32>
      %lt3A_288 = arith.constant 200 : i32
      %lt3A_289 = vector.broadcast %lt3A_288 : i32 to vector<16xi32>
      %lt3A_290 = arith.cmpi slt, %add3A_284, %lt3A_289 : vector<16xi32>
      %and3A_291 = arith.andi %gt3A_287, %lt3A_290 : vector<16xi1>
      %ne3A_292 = arith.constant 0 : i32
      %ne3A_293 = vector.broadcast %ne3A_292 : i32 to vector<16xi32>
      %ne3A_294 = arith.cmpi ne, %get3A_50, %ne3A_293 : vector<16xi32>
      %and3A_295 = arith.andi %ne3A_294, %and3A_291 : vector<16xi1>
      %ne3A_296 = arith.constant 0 : i32
      %ne3A_297 = vector.broadcast %ne3A_296 : i32 to vector<16xi32>
      %ne3A_298 = arith.cmpi ne, %get3A_89, %ne3A_297 : vector<16xi32>
      %and3A_299 = arith.andi %ne3A_298, %and3A_291 : vector<16xi1>
      %iota3A_300 = tpu.iota {dimensions = array<i32: 0>} : vector<16xi32>
      %add3A_301 = arith.constant 176 : i32
      %add3A_302 = vector.broadcast %add3A_301 : i32 to vector<16xi32>
      %add3A_303 = arith.addi %iota3A_300, %add3A_302 : vector<16xi32>
      %gt3A_304 = arith.constant 0 : i32
      %gt3A_305 = vector.broadcast %gt3A_304 : i32 to vector<16xi32>
      %gt3A_306 = arith.cmpi sgt, %add3A_303, %gt3A_305 : vector<16xi32>
      %lt3A_307 = arith.constant 200 : i32
      %lt3A_308 = vector.broadcast %lt3A_307 : i32 to vector<16xi32>
      %lt3A_309 = arith.cmpi slt, %add3A_303, %lt3A_308 : vector<16xi32>
      %and3A_310 = arith.andi %gt3A_306, %lt3A_309 : vector<16xi1>
      %ne3A_311 = arith.constant 0 : i32
      %ne3A_312 = vector.broadcast %ne3A_311 : i32 to vector<16xi32>
      %ne3A_313 = arith.cmpi ne, %get3A_53, %ne3A_312 : vector<16xi32>
      %and3A_314 = arith.andi %ne3A_313, %and3A_310 : vector<16xi1>
      %ne3A_315 = arith.constant 0 : i32
      %ne3A_316 = vector.broadcast %ne3A_315 : i32 to vector<16xi32>
      %ne3A_317 = arith.cmpi ne, %get3A_92, %ne3A_316 : vector<16xi32>
      %and3A_318 = arith.andi %ne3A_317, %and3A_310 : vector<16xi1>
      %iota3A_319 = tpu.iota {dimensions = array<i32: 0>} : vector<16xi32>
      %add3A_320 = arith.constant 192 : i32
      %add3A_321 = vector.broadcast %add3A_320 : i32 to vector<16xi32>
      %add3A_322 = arith.addi %iota3A_319, %add3A_321 : vector<16xi32>
      %gt3A_323 = arith.constant 0 : i32
      %gt3A_324 = vector.broadcast %gt3A_323 : i32 to vector<16xi32>
      %gt3A_325 = arith.cmpi sgt, %add3A_322, %gt3A_324 : vector<16xi32>
      %lt3A_326 = arith.constant 200 : i32
      %lt3A_327 = vector.broadcast %lt3A_326 : i32 to vector<16xi32>
      %lt3A_328 = arith.cmpi slt, %add3A_322, %lt3A_327 : vector<16xi32>
      %and3A_329 = arith.andi %gt3A_325, %lt3A_328 : vector<16xi1>
      %ne3A_330 = arith.constant 0 : i32
      %ne3A_331 = vector.broadcast %ne3A_330 : i32 to vector<16xi32>
      %ne3A_332 = arith.cmpi ne, %get3A_56, %ne3A_331 : vector<16xi32>
      %and3A_333 = arith.andi %ne3A_332, %and3A_329 : vector<16xi1>
      %ne3A_334 = arith.constant 0 : i32
      %ne3A_335 = vector.broadcast %ne3A_334 : i32 to vector<16xi32>
      %ne3A_336 = arith.cmpi ne, %get3A_95, %ne3A_335 : vector<16xi32>
      %and3A_337 = arith.andi %ne3A_336, %and3A_329 : vector<16xi1>
      tpu.vector_store_idx %arg9[%get3A_20], %broadcast_in_dim3A_5 {add = true} : memref<100000xf32, #tpu.memory_space<vmem>>[vector<16xi32>], vector<16xf32>,
      tpu.vector_store_idx %arg9[%get3A_23], %broadcast_in_dim3A_5 {add = true} : memref<100000xf32, #tpu.memory_space<vmem>>[vector<16xi32>], vector<16xf32>,
      tpu.vector_store_idx %arg9[%get3A_26], %broadcast_in_dim3A_5 {add = true} : memref<100000xf32, #tpu.memory_space<vmem>>[vector<16xi32>], vector<16xf32>,
      tpu.vector_store_idx %arg9[%get3A_29], %broadcast_in_dim3A_5 {add = true} : memref<100000xf32, #tpu.memory_space<vmem>>[vector<16xi32>], vector<16xf32>,
      tpu.vector_store_idx %arg9[%get3A_32], %broadcast_in_dim3A_5 {add = true} : memref<100000xf32, #tpu.memory_space<vmem>>[vector<16xi32>], vector<16xf32>,
      tpu.vector_store_idx %arg9[%get3A_35], %broadcast_in_dim3A_5 {add = true} : memref<100000xf32, #tpu.memory_space<vmem>>[vector<16xi32>], vector<16xf32>,
      tpu.vector_store_idx %arg9[%get3A_38], %broadcast_in_dim3A_5 {add = true} : memref<100000xf32, #tpu.memory_space<vmem>>[vector<16xi32>], vector<16xf32>,
      tpu.vector_store_idx %arg9[%get3A_41], %broadcast_in_dim3A_5 {add = true} : memref<100000xf32, #tpu.memory_space<vmem>>[vector<16xi32>], vector<16xf32>,
      tpu.vector_store_idx %arg9[%get3A_44], %broadcast_in_dim3A_5 {add = true} : memref<100000xf32, #tpu.memory_space<vmem>>[vector<16xi32>], vector<16xf32>,
      tpu.vector_store_idx %arg9[%get3A_47], %broadcast_in_dim3A_5 {add = true} : memref<100000xf32, #tpu.memory_space<vmem>>[vector<16xi32>], vector<16xf32>,
      tpu.vector_store_idx %arg9[%get3A_50], %broadcast_in_dim3A_5 {add = true} : memref<100000xf32, #tpu.memory_space<vmem>>[vector<16xi32>], vector<16xf32>,
      tpu.vector_store_idx %arg9[%get3A_53], %broadcast_in_dim3A_5 {add = true} : memref<100000xf32, #tpu.memory_space<vmem>>[vector<16xi32>], vector<16xf32>,
      tpu.vector_store_idx %arg9[%get3A_56], %broadcast_in_dim3A_5 {add = true} : memref<100000xf32, #tpu.memory_space<vmem>>[vector<16xi32>], vector<16xf32>,
      %gather3A = tpu.vector_load_idx %arg9[%get3A_20] : memref<100000xf32, #tpu.memory_space<vmem>>[vector<16xi32>], vector<16xf32>,
      %jit3A = arith.constant 0.000000e+00 : f32
      %broadcast_in_dim3A_338 = vector.broadcast %jit3A : f32 to vector<16xf32>
      %select_n3A = arith.select %and3A_105, %gather3A, %broadcast_in_dim3A_338 : vector<16xi1>, vector<16xf32>
      %gather3A_339 = tpu.vector_load_idx %arg9[%get3A_59] : memref<100000xf32, #tpu.memory_space<vmem>>[vector<16xi32>], vector<16xf32>,
      %jit3A_340 = arith.constant 0.000000e+00 : f32
      %broadcast_in_dim3A_341 = vector.broadcast %jit3A_340 : f32 to vector<16xf32>
      %select_n3A_342 = arith.select %and3A_109, %gather3A_339, %broadcast_in_dim3A_341 : vector<16xi1>, vector<16xf32>
      %swap3A = arith.constant 0 : index
      %swap3A_343 = tpu.vector_load %arg12[%swap3A] {strides = array<i32>} : memref<208xf32, #tpu.memory_space<vmem>>, vector<16xf32>,
      tpu.vector_store %arg12[%swap3A], %select_n3A {strides = array<i32>} : memref<208xf32, #tpu.memory_space<vmem>>, vector<16xf32>,
      %swap3A_344 = arith.constant 0 : index
      %swap3A_345 = tpu.vector_load %arg14[%swap3A_344] {strides = array<i32>} : memref<208xf32, #tpu.memory_space<vmem>>, vector<16xf32>,
      tpu.vector_store %arg14[%swap3A_344], %select_n3A_342 {strides = array<i32>} : memref<208xf32, #tpu.memory_space<vmem>>, vector<16xf32>,
      %add3A_346 = arith.addf %broadcast_in_dim3A_7, %select_n3A : vector<16xf32>
      %add3A_347 = arith.addf %broadcast_in_dim3A_7, %select_n3A_342 : vector<16xf32>
      %gather3A_348 = tpu.vector_load_idx %arg9[%get3A_23] : memref<100000xf32, #tpu.memory_space<vmem>>[vector<16xi32>], vector<16xf32>,
      %jit3A_349 = arith.constant 0.000000e+00 : f32
      %broadcast_in_dim3A_350 = vector.broadcast %jit3A_349 : f32 to vector<16xf32>
      %select_n3A_351 = arith.select %and3A_124, %gather3A_348, %broadcast_in_dim3A_350 : vector<16xi1>, vector<16xf32>
      %gather3A_352 = tpu.vector_load_idx %arg9[%get3A_62] : memref<100000xf32, #tpu.memory_space<vmem>>[vector<16xi32>], vector<16xf32>,
      %jit3A_353 = arith.constant 0.000000e+00 : f32
      %broadcast_in_dim3A_354 = vector.broadcast %jit3A_353 : f32 to vector<16xf32>
      %select_n3A_355 = arith.select %and3A_128, %gather3A_352, %broadcast_in_dim3A_354 : vector<16xi1>, vector<16xf32>
      %swap3A_356 = arith.constant 16 : index
      %swap3A_357 = tpu.vector_load %arg12[%swap3A_356] {strides = array<i32>} : memref<208xf32, #tpu.memory_space<vmem>>, vector<16xf32>,
      tpu.vector_store %arg12[%swap3A_356], %select_n3A_351 {strides = array<i32>} : memref<208xf32, #tpu.memory_space<vmem>>, vector<16xf32>,
      %swap3A_358 = arith.constant 16 : index
      %swap3A_359 = tpu.vector_load %arg14[%swap3A_358] {strides = array<i32>} : memref<208xf32, #tpu.memory_space<vmem>>, vector<16xf32>,
      tpu.vector_store %arg14[%swap3A_358], %select_n3A_355 {strides = array<i32>} : memref<208xf32, #tpu.memory_space<vmem>>, vector<16xf32>,
      %add3A_360 = arith.addf %add3A_346, %select_n3A_351 : vector<16xf32>
      %add3A_361 = arith.addf %add3A_347, %select_n3A_355 : vector<16xf32>
      %gather3A_362 = tpu.vector_load_idx %arg9[%get3A_26] : memref<100000xf32, #tpu.memory_space<vmem>>[vector<16xi32>], vector<16xf32>,
      %jit3A_363 = arith.constant 0.000000e+00 : f32
      %broadcast_in_dim3A_364 = vector.broadcast %jit3A_363 : f32 to vector<16xf32>
      %select_n3A_365 = arith.select %and3A_143, %gather3A_362, %broadcast_in_dim3A_364 : vector<16xi1>, vector<16xf32>
      %gather3A_366 = tpu.vector_load_idx %arg9[%get3A_65] : memref<100000xf32, #tpu.memory_space<vmem>>[vector<16xi32>], vector<16xf32>,
      %jit3A_367 = arith.constant 0.000000e+00 : f32
      %broadcast_in_dim3A_368 = vector.broadcast %jit3A_367 : f32 to vector<16xf32>
      %select_n3A_369 = arith.select %and3A_147, %gather3A_366, %broadcast_in_dim3A_368 : vector<16xi1>, vector<16xf32>
      %swap3A_370 = arith.constant 32 : index
      %swap3A_371 = tpu.vector_load %arg12[%swap3A_370] {strides = array<i32>} : memref<208xf32, #tpu.memory_space<vmem>>, vector<16xf32>,
      tpu.vector_store %arg12[%swap3A_370], %select_n3A_365 {strides = array<i32>} : memref<208xf32, #tpu.memory_space<vmem>>, vector<16xf32>,
      %swap3A_372 = arith.constant 32 : index
      %swap3A_373 = tpu.vector_load %arg14[%swap3A_372] {strides = array<i32>} : memref<208xf32, #tpu.memory_space<vmem>>, vector<16xf32>,
      tpu.vector_store %arg14[%swap3A_372], %select_n3A_369 {strides = array<i32>} : memref<208xf32, #tpu.memory_space<vmem>>, vector<16xf32>,
      %add3A_374 = arith.addf %add3A_360, %select_n3A_365 : vector<16xf32>
      %add3A_375 = arith.addf %add3A_361, %select_n3A_369 : vector<16xf32>
      %gather3A_376 = tpu.vector_load_idx %arg9[%get3A_29] : memref<100000xf32, #tpu.memory_space<vmem>>[vector<16xi32>], vector<16xf32>,
      %jit3A_377 = arith.constant 0.000000e+00 : f32
      %broadcast_in_dim3A_378 = vector.broadcast %jit3A_377 : f32 to vector<16xf32>
      %select_n3A_379 = arith.select %and3A_162, %gather3A_376, %broadcast_in_dim3A_378 : vector<16xi1>, vector<16xf32>
      %gather3A_380 = tpu.vector_load_idx %arg9[%get3A_68] : memref<100000xf32, #tpu.memory_space<vmem>>[vector<16xi32>], vector<16xf32>,
      %jit3A_381 = arith.constant 0.000000e+00 : f32
      %broadcast_in_dim3A_382 = vector.broadcast %jit3A_381 : f32 to vector<16xf32>
      %select_n3A_383 = arith.select %and3A_166, %gather3A_380, %broadcast_in_dim3A_382 : vector<16xi1>, vector<16xf32>
      %swap3A_384 = arith.constant 48 : index
      %swap3A_385 = tpu.vector_load %arg12[%swap3A_384] {strides = array<i32>} : memref<208xf32, #tpu.memory_space<vmem>>, vector<16xf32>,
      tpu.vector_store %arg12[%swap3A_384], %select_n3A_379 {strides = array<i32>} : memref<208xf32, #tpu.memory_space<vmem>>, vector<16xf32>,
      %swap3A_386 = arith.constant 48 : index
      %swap3A_387 = tpu.vector_load %arg14[%swap3A_386] {strides = array<i32>} : memref<208xf32, #tpu.memory_space<vmem>>, vector<16xf32>,
      tpu.vector_store %arg14[%swap3A_386], %select_n3A_383 {strides = array<i32>} : memref<208xf32, #tpu.memory_space<vmem>>, vector<16xf32>,
      %add3A_388 = arith.addf %add3A_374, %select_n3A_379 : vector<16xf32>
      %add3A_389 = arith.addf %add3A_375, %select_n3A_383 : vector<16xf32>
      %gather3A_390 = tpu.vector_load_idx %arg9[%get3A_32] : memref<100000xf32, #tpu.memory_space<vmem>>[vector<16xi32>], vector<16xf32>,
      %jit3A_391 = arith.constant 0.000000e+00 : f32
      %broadcast_in_dim3A_392 = vector.broadcast %jit3A_391 : f32 to vector<16xf32>
      %select_n3A_393 = arith.select %and3A_181, %gather3A_390, %broadcast_in_dim3A_392 : vector<16xi1>, vector<16xf32>
      %gather3A_394 = tpu.vector_load_idx %arg9[%get3A_71] : memref<100000xf32, #tpu.memory_space<vmem>>[vector<16xi32>], vector<16xf32>,
      %jit3A_395 = arith.constant 0.000000e+00 : f32
      %broadcast_in_dim3A_396 = vector.broadcast %jit3A_395 : f32 to vector<16xf32>
      %select_n3A_397 = arith.select %and3A_185, %gather3A_394, %broadcast_in_dim3A_396 : vector<16xi1>, vector<16xf32>
      %swap3A_398 = arith.constant 64 : index
      %swap3A_399 = tpu.vector_load %arg12[%swap3A_398] {strides = array<i32>} : memref<208xf32, #tpu.memory_space<vmem>>, vector<16xf32>,
      tpu.vector_store %arg12[%swap3A_398], %select_n3A_393 {strides = array<i32>} : memref<208xf32, #tpu.memory_space<vmem>>, vector<16xf32>,
      %swap3A_400 = arith.constant 64 : index
      %swap3A_401 = tpu.vector_load %arg14[%swap3A_400] {strides = array<i32>} : memref<208xf32, #tpu.memory_space<vmem>>, vector<16xf32>,
      tpu.vector_store %arg14[%swap3A_400], %select_n3A_397 {strides = array<i32>} : memref<208xf32, #tpu.memory_space<vmem>>, vector<16xf32>,
      %add3A_402 = arith.addf %add3A_388, %select_n3A_393 : vector<16xf32>
      %add3A_403 = arith.addf %add3A_389, %select_n3A_397 : vector<16xf32>
      %gather3A_404 = tpu.vector_load_idx %arg9[%get3A_35] : memref<100000xf32, #tpu.memory_space<vmem>>[vector<16xi32>], vector<16xf32>,
      %jit3A_405 = arith.constant 0.000000e+00 : f32
      %broadcast_in_dim3A_406 = vector.broadcast %jit3A_405 : f32 to vector<16xf32>
      %select_n3A_407 = arith.select %and3A_200, %gather3A_404, %broadcast_in_dim3A_406 : vector<16xi1>, vector<16xf32>
      %gather3A_408 = tpu.vector_load_idx %arg9[%get3A_74] : memref<100000xf32, #tpu.memory_space<vmem>>[vector<16xi32>], vector<16xf32>,
      %jit3A_409 = arith.constant 0.000000e+00 : f32
      %broadcast_in_dim3A_410 = vector.broadcast %jit3A_409 : f32 to vector<16xf32>
      %select_n3A_411 = arith.select %and3A_204, %gather3A_408, %broadcast_in_dim3A_410 : vector<16xi1>, vector<16xf32>
      %swap3A_412 = arith.constant 80 : index
      %swap3A_413 = tpu.vector_load %arg12[%swap3A_412] {strides = array<i32>} : memref<208xf32, #tpu.memory_space<vmem>>, vector<16xf32>,
      tpu.vector_store %arg12[%swap3A_412], %select_n3A_407 {strides = array<i32>} : memref<208xf32, #tpu.memory_space<vmem>>, vector<16xf32>,
      %swap3A_414 = arith.constant 80 : index
      %swap3A_415 = tpu.vector_load %arg14[%swap3A_414] {strides = array<i32>} : memref<208xf32, #tpu.memory_space<vmem>>, vector<16xf32>,
      tpu.vector_store %arg14[%swap3A_414], %select_n3A_411 {strides = array<i32>} : memref<208xf32, #tpu.memory_space<vmem>>, vector<16xf32>,
      %add3A_416 = arith.addf %add3A_402, %select_n3A_407 : vector<16xf32>
      %add3A_417 = arith.addf %add3A_403, %select_n3A_411 : vector<16xf32>
      %gather3A_418 = tpu.vector_load_idx %arg9[%get3A_38] : memref<100000xf32, #tpu.memory_space<vmem>>[vector<16xi32>], vector<16xf32>,
      %jit3A_419 = arith.constant 0.000000e+00 : f32
      %broadcast_in_dim3A_420 = vector.broadcast %jit3A_419 : f32 to vector<16xf32>
      %select_n3A_421 = arith.select %and3A_219, %gather3A_418, %broadcast_in_dim3A_420 : vector<16xi1>, vector<16xf32>
      %gather3A_422 = tpu.vector_load_idx %arg9[%get3A_77] : memref<100000xf32, #tpu.memory_space<vmem>>[vector<16xi32>], vector<16xf32>,
      %jit3A_423 = arith.constant 0.000000e+00 : f32
      %broadcast_in_dim3A_424 = vector.broadcast %jit3A_423 : f32 to vector<16xf32>
      %select_n3A_425 = arith.select %and3A_223, %gather3A_422, %broadcast_in_dim3A_424 : vector<16xi1>, vector<16xf32>
      %swap3A_426 = arith.constant 96 : index
      %swap3A_427 = tpu.vector_load %arg12[%swap3A_426] {strides = array<i32>} : memref<208xf32, #tpu.memory_space<vmem>>, vector<16xf32>,
      tpu.vector_store %arg12[%swap3A_426], %select_n3A_421 {strides = array<i32>} : memref<208xf32, #tpu.memory_space<vmem>>, vector<16xf32>,
      %swap3A_428 = arith.constant 96 : index
      %swap3A_429 = tpu.vector_load %arg14[%swap3A_428] {strides = array<i32>} : memref<208xf32, #tpu.memory_space<vmem>>, vector<16xf32>,
      tpu.vector_store %arg14[%swap3A_428], %select_n3A_425 {strides = array<i32>} : memref<208xf32, #tpu.memory_space<vmem>>, vector<16xf32>,
      %add3A_430 = arith.addf %add3A_416, %select_n3A_421 : vector<16xf32>
      %add3A_431 = arith.addf %add3A_417, %select_n3A_425 : vector<16xf32>
      %gather3A_432 = tpu.vector_load_idx %arg9[%get3A_41] : memref<100000xf32, #tpu.memory_space<vmem>>[vector<16xi32>], vector<16xf32>,
      %jit3A_433 = arith.constant 0.000000e+00 : f32
      %broadcast_in_dim3A_434 = vector.broadcast %jit3A_433 : f32 to vector<16xf32>
      %select_n3A_435 = arith.select %and3A_238, %gather3A_432, %broadcast_in_dim3A_434 : vector<16xi1>, vector<16xf32>
      %gather3A_436 = tpu.vector_load_idx %arg9[%get3A_80] : memref<100000xf32, #tpu.memory_space<vmem>>[vector<16xi32>], vector<16xf32>,
      %jit3A_437 = arith.constant 0.000000e+00 : f32
      %broadcast_in_dim3A_438 = vector.broadcast %jit3A_437 : f32 to vector<16xf32>
      %select_n3A_439 = arith.select %and3A_242, %gather3A_436, %broadcast_in_dim3A_438 : vector<16xi1>, vector<16xf32>
      %swap3A_440 = arith.constant 112 : index
      %swap3A_441 = tpu.vector_load %arg12[%swap3A_440] {strides = array<i32>} : memref<208xf32, #tpu.memory_space<vmem>>, vector<16xf32>,
      tpu.vector_store %arg12[%swap3A_440], %select_n3A_435 {strides = array<i32>} : memref<208xf32, #tpu.memory_space<vmem>>, vector<16xf32>,
      %swap3A_442 = arith.constant 112 : index
      %swap3A_443 = tpu.vector_load %arg14[%swap3A_442] {strides = array<i32>} : memref<208xf32, #tpu.memory_space<vmem>>, vector<16xf32>,
      tpu.vector_store %arg14[%swap3A_442], %select_n3A_439 {strides = array<i32>} : memref<208xf32, #tpu.memory_space<vmem>>, vector<16xf32>,
      %add3A_444 = arith.addf %add3A_430, %select_n3A_435 : vector<16xf32>
      %add3A_445 = arith.addf %add3A_431, %select_n3A_439 : vector<16xf32>
      %gather3A_446 = tpu.vector_load_idx %arg9[%get3A_44] : memref<100000xf32, #tpu.memory_space<vmem>>[vector<16xi32>], vector<16xf32>,
      %jit3A_447 = arith.constant 0.000000e+00 : f32
      %broadcast_in_dim3A_448 = vector.broadcast %jit3A_447 : f32 to vector<16xf32>
      %select_n3A_449 = arith.select %and3A_257, %gather3A_446, %broadcast_in_dim3A_448 : vector<16xi1>, vector<16xf32>
      %gather3A_450 = tpu.vector_load_idx %arg9[%get3A_83] : memref<100000xf32, #tpu.memory_space<vmem>>[vector<16xi32>], vector<16xf32>,
      %jit3A_451 = arith.constant 0.000000e+00 : f32
      %broadcast_in_dim3A_452 = vector.broadcast %jit3A_451 : f32 to vector<16xf32>
      %select_n3A_453 = arith.select %and3A_261, %gather3A_450, %broadcast_in_dim3A_452 : vector<16xi1>, vector<16xf32>
      %swap3A_454 = arith.constant 128 : index
      %swap3A_455 = tpu.vector_load %arg12[%swap3A_454] {strides = array<i32>} : memref<208xf32, #tpu.memory_space<vmem>>, vector<16xf32>,
      tpu.vector_store %arg12[%swap3A_454], %select_n3A_449 {strides = array<i32>} : memref<208xf32, #tpu.memory_space<vmem>>, vector<16xf32>,
      %swap3A_456 = arith.constant 128 : index
      %swap3A_457 = tpu.vector_load %arg14[%swap3A_456] {strides = array<i32>} : memref<208xf32, #tpu.memory_space<vmem>>, vector<16xf32>,
      tpu.vector_store %arg14[%swap3A_456], %select_n3A_453 {strides = array<i32>} : memref<208xf32, #tpu.memory_space<vmem>>, vector<16xf32>,
      %add3A_458 = arith.addf %add3A_444, %select_n3A_449 : vector<16xf32>
      %add3A_459 = arith.addf %add3A_445, %select_n3A_453 : vector<16xf32>
      %gather3A_460 = tpu.vector_load_idx %arg9[%get3A_47] : memref<100000xf32, #tpu.memory_space<vmem>>[vector<16xi32>], vector<16xf32>,
      %jit3A_461 = arith.constant 0.000000e+00 : f32
      %broadcast_in_dim3A_462 = vector.broadcast %jit3A_461 : f32 to vector<16xf32>
      %select_n3A_463 = arith.select %and3A_276, %gather3A_460, %broadcast_in_dim3A_462 : vector<16xi1>, vector<16xf32>
      %gather3A_464 = tpu.vector_load_idx %arg9[%get3A_86] : memref<100000xf32, #tpu.memory_space<vmem>>[vector<16xi32>], vector<16xf32>,
      %jit3A_465 = arith.constant 0.000000e+00 : f32
      %broadcast_in_dim3A_466 = vector.broadcast %jit3A_465 : f32 to vector<16xf32>
      %select_n3A_467 = arith.select %and3A_280, %gather3A_464, %broadcast_in_dim3A_466 : vector<16xi1>, vector<16xf32>
      %swap3A_468 = arith.constant 144 : index
      %swap3A_469 = tpu.vector_load %arg12[%swap3A_468] {strides = array<i32>} : memref<208xf32, #tpu.memory_space<vmem>>, vector<16xf32>,
      tpu.vector_store %arg12[%swap3A_468], %select_n3A_463 {strides = array<i32>} : memref<208xf32, #tpu.memory_space<vmem>>, vector<16xf32>,
      %swap3A_470 = arith.constant 144 : index
      %swap3A_471 = tpu.vector_load %arg14[%swap3A_470] {strides = array<i32>} : memref<208xf32, #tpu.memory_space<vmem>>, vector<16xf32>,
      tpu.vector_store %arg14[%swap3A_470], %select_n3A_467 {strides = array<i32>} : memref<208xf32, #tpu.memory_space<vmem>>, vector<16xf32>,
      %add3A_472 = arith.addf %add3A_458, %select_n3A_463 : vector<16xf32>
      %add3A_473 = arith.addf %add3A_459, %select_n3A_467 : vector<16xf32>
      %gather3A_474 = tpu.vector_load_idx %arg9[%get3A_50] : memref<100000xf32, #tpu.memory_space<vmem>>[vector<16xi32>], vector<16xf32>,
      %jit3A_475 = arith.constant 0.000000e+00 : f32
      %broadcast_in_dim3A_476 = vector.broadcast %jit3A_475 : f32 to vector<16xf32>
      %select_n3A_477 = arith.select %and3A_295, %gather3A_474, %broadcast_in_dim3A_476 : vector<16xi1>, vector<16xf32>
      %gather3A_478 = tpu.vector_load_idx %arg9[%get3A_89] : memref<100000xf32, #tpu.memory_space<vmem>>[vector<16xi32>], vector<16xf32>,
      %jit3A_479 = arith.constant 0.000000e+00 : f32
      %broadcast_in_dim3A_480 = vector.broadcast %jit3A_479 : f32 to vector<16xf32>
      %select_n3A_481 = arith.select %and3A_299, %gather3A_478, %broadcast_in_dim3A_480 : vector<16xi1>, vector<16xf32>
      %swap3A_482 = arith.constant 160 : index
      %swap3A_483 = tpu.vector_load %arg12[%swap3A_482] {strides = array<i32>} : memref<208xf32, #tpu.memory_space<vmem>>, vector<16xf32>,
      tpu.vector_store %arg12[%swap3A_482], %select_n3A_477 {strides = array<i32>} : memref<208xf32, #tpu.memory_space<vmem>>, vector<16xf32>,
      %swap3A_484 = arith.constant 160 : index
      %swap3A_485 = tpu.vector_load %arg14[%swap3A_484] {strides = array<i32>} : memref<208xf32, #tpu.memory_space<vmem>>, vector<16xf32>,
      tpu.vector_store %arg14[%swap3A_484], %select_n3A_481 {strides = array<i32>} : memref<208xf32, #tpu.memory_space<vmem>>, vector<16xf32>,
      %add3A_486 = arith.addf %add3A_472, %select_n3A_477 : vector<16xf32>
      %add3A_487 = arith.addf %add3A_473, %select_n3A_481 : vector<16xf32>
      %gather3A_488 = tpu.vector_load_idx %arg9[%get3A_53] : memref<100000xf32, #tpu.memory_space<vmem>>[vector<16xi32>], vector<16xf32>,
      %jit3A_489 = arith.constant 0.000000e+00 : f32
      %broadcast_in_dim3A_490 = vector.broadcast %jit3A_489 : f32 to vector<16xf32>
      %select_n3A_491 = arith.select %and3A_314, %gather3A_488, %broadcast_in_dim3A_490 : vector<16xi1>, vector<16xf32>
      %gather3A_492 = tpu.vector_load_idx %arg9[%get3A_92] : memref<100000xf32, #tpu.memory_space<vmem>>[vector<16xi32>], vector<16xf32>,
      %jit3A_493 = arith.constant 0.000000e+00 : f32
      %broadcast_in_dim3A_494 = vector.broadcast %jit3A_493 : f32 to vector<16xf32>
      %select_n3A_495 = arith.select %and3A_318, %gather3A_492, %broadcast_in_dim3A_494 : vector<16xi1>, vector<16xf32>
      %swap3A_496 = arith.constant 176 : index
      %swap3A_497 = tpu.vector_load %arg12[%swap3A_496] {strides = array<i32>} : memref<208xf32, #tpu.memory_space<vmem>>, vector<16xf32>,
      tpu.vector_store %arg12[%swap3A_496], %select_n3A_491 {strides = array<i32>} : memref<208xf32, #tpu.memory_space<vmem>>, vector<16xf32>,
      %swap3A_498 = arith.constant 176 : index
      %swap3A_499 = tpu.vector_load %arg14[%swap3A_498] {strides = array<i32>} : memref<208xf32, #tpu.memory_space<vmem>>, vector<16xf32>,
      tpu.vector_store %arg14[%swap3A_498], %select_n3A_495 {strides = array<i32>} : memref<208xf32, #tpu.memory_space<vmem>>, vector<16xf32>,
      %add3A_500 = arith.addf %add3A_486, %select_n3A_491 : vector<16xf32>
      %add3A_501 = arith.addf %add3A_487, %select_n3A_495 : vector<16xf32>
      %gather3A_502 = tpu.vector_load_idx %arg9[%get3A_56] : memref<100000xf32, #tpu.memory_space<vmem>>[vector<16xi32>], vector<16xf32>,
      %jit3A_503 = arith.constant 0.000000e+00 : f32
      %broadcast_in_dim3A_504 = vector.broadcast %jit3A_503 : f32 to vector<16xf32>
      %select_n3A_505 = arith.select %and3A_333, %gather3A_502, %broadcast_in_dim3A_504 : vector<16xi1>, vector<16xf32>
      %gather3A_506 = tpu.vector_load_idx %arg9[%get3A_95] : memref<100000xf32, #tpu.memory_space<vmem>>[vector<16xi32>], vector<16xf32>,
      %jit3A_507 = arith.constant 0.000000e+00 : f32
      %broadcast_in_dim3A_508 = vector.broadcast %jit3A_507 : f32 to vector<16xf32>
      %select_n3A_509 = arith.select %and3A_337, %gather3A_506, %broadcast_in_dim3A_508 : vector<16xi1>, vector<16xf32>
      %swap3A_510 = arith.constant 192 : index
      %swap3A_511 = tpu.vector_load %arg12[%swap3A_510] {strides = array<i32>} : memref<208xf32, #tpu.memory_space<vmem>>, vector<16xf32>,
      tpu.vector_store %arg12[%swap3A_510], %select_n3A_505 {strides = array<i32>} : memref<208xf32, #tpu.memory_space<vmem>>, vector<16xf32>,
      %swap3A_512 = arith.constant 192 : index
      %swap3A_513 = tpu.vector_load %arg14[%swap3A_512] {strides = array<i32>} : memref<208xf32, #tpu.memory_space<vmem>>, vector<16xf32>,
      tpu.vector_store %arg14[%swap3A_512], %select_n3A_509 {strides = array<i32>} : memref<208xf32, #tpu.memory_space<vmem>>, vector<16xf32>,
      %add3A_514 = arith.addf %add3A_500, %select_n3A_505 : vector<16xf32>
      %add3A_515 = arith.addf %add3A_501, %select_n3A_509 : vector<16xf32>
      tpu.vector_store_idx %arg9[%get3A_20], %broadcast_in_dim3A_7 : memref<100000xf32, #tpu.memory_space<vmem>>[vector<16xi32>], vector<16xf32>,
      tpu.vector_store_idx %arg9[%get3A_23], %broadcast_in_dim3A_7 : memref<100000xf32, #tpu.memory_space<vmem>>[vector<16xi32>], vector<16xf32>,
      tpu.vector_store_idx %arg9[%get3A_26], %broadcast_in_dim3A_7 : memref<100000xf32, #tpu.memory_space<vmem>>[vector<16xi32>], vector<16xf32>,
      tpu.vector_store_idx %arg9[%get3A_29], %broadcast_in_dim3A_7 : memref<100000xf32, #tpu.memory_space<vmem>>[vector<16xi32>], vector<16xf32>,
      tpu.vector_store_idx %arg9[%get3A_32], %broadcast_in_dim3A_7 : memref<100000xf32, #tpu.memory_space<vmem>>[vector<16xi32>], vector<16xf32>,
      tpu.vector_store_idx %arg9[%get3A_35], %broadcast_in_dim3A_7 : memref<100000xf32, #tpu.memory_space<vmem>>[vector<16xi32>], vector<16xf32>,
      tpu.vector_store_idx %arg9[%get3A_38], %broadcast_in_dim3A_7 : memref<100000xf32, #tpu.memory_space<vmem>>[vector<16xi32>], vector<16xf32>,
      tpu.vector_store_idx %arg9[%get3A_41], %broadcast_in_dim3A_7 : memref<100000xf32, #tpu.memory_space<vmem>>[vector<16xi32>], vector<16xf32>,
      tpu.vector_store_idx %arg9[%get3A_44], %broadcast_in_dim3A_7 : memref<100000xf32, #tpu.memory_space<vmem>>[vector<16xi32>], vector<16xf32>,
      tpu.vector_store_idx %arg9[%get3A_47], %broadcast_in_dim3A_7 : memref<100000xf32, #tpu.memory_space<vmem>>[vector<16xi32>], vector<16xf32>,
      tpu.vector_store_idx %arg9[%get3A_50], %broadcast_in_dim3A_7 : memref<100000xf32, #tpu.memory_space<vmem>>[vector<16xi32>], vector<16xf32>,
      tpu.vector_store_idx %arg9[%get3A_53], %broadcast_in_dim3A_7 : memref<100000xf32, #tpu.memory_space<vmem>>[vector<16xi32>], vector<16xf32>,
      tpu.vector_store_idx %arg9[%get3A_56], %broadcast_in_dim3A_7 : memref<100000xf32, #tpu.memory_space<vmem>>[vector<16xi32>], vector<16xf32>,
      tpu.vector_store_idx %arg9[%get3A_59], %broadcast_in_dim3A_5 {add = true} : memref<100000xf32, #tpu.memory_space<vmem>>[vector<16xi32>], vector<16xf32>,
      tpu.vector_store_idx %arg9[%get3A_62], %broadcast_in_dim3A_5 {add = true} : memref<100000xf32, #tpu.memory_space<vmem>>[vector<16xi32>], vector<16xf32>,
      tpu.vector_store_idx %arg9[%get3A_65], %broadcast_in_dim3A_5 {add = true} : memref<100000xf32, #tpu.memory_space<vmem>>[vector<16xi32>], vector<16xf32>,
      tpu.vector_store_idx %arg9[%get3A_68], %broadcast_in_dim3A_5 {add = true} : memref<100000xf32, #tpu.memory_space<vmem>>[vector<16xi32>], vector<16xf32>,
      tpu.vector_store_idx %arg9[%get3A_71], %broadcast_in_dim3A_5 {add = true} : memref<100000xf32, #tpu.memory_space<vmem>>[vector<16xi32>], vector<16xf32>,
      tpu.vector_store_idx %arg9[%get3A_74], %broadcast_in_dim3A_5 {add = true} : memref<100000xf32, #tpu.memory_space<vmem>>[vector<16xi32>], vector<16xf32>,
      tpu.vector_store_idx %arg9[%get3A_77], %broadcast_in_dim3A_5 {add = true} : memref<100000xf32, #tpu.memory_space<vmem>>[vector<16xi32>], vector<16xf32>,
      tpu.vector_store_idx %arg9[%get3A_80], %broadcast_in_dim3A_5 {add = true} : memref<100000xf32, #tpu.memory_space<vmem>>[vector<16xi32>], vector<16xf32>,
      tpu.vector_store_idx %arg9[%get3A_83], %broadcast_in_dim3A_5 {add = true} : memref<100000xf32, #tpu.memory_space<vmem>>[vector<16xi32>], vector<16xf32>,
      tpu.vector_store_idx %arg9[%get3A_86], %broadcast_in_dim3A_5 {add = true} : memref<100000xf32, #tpu.memory_space<vmem>>[vector<16xi32>], vector<16xf32>,
      tpu.vector_store_idx %arg9[%get3A_89], %broadcast_in_dim3A_5 {add = true} : memref<100000xf32, #tpu.memory_space<vmem>>[vector<16xi32>], vector<16xf32>,
      tpu.vector_store_idx %arg9[%get3A_92], %broadcast_in_dim3A_5 {add = true} : memref<100000xf32, #tpu.memory_space<vmem>>[vector<16xi32>], vector<16xf32>,
      tpu.vector_store_idx %arg9[%get3A_95], %broadcast_in_dim3A_5 {add = true} : memref<100000xf32, #tpu.memory_space<vmem>>[vector<16xi32>], vector<16xf32>,
      %gather3A_516 = tpu.vector_load_idx %arg9[%get3A_20] : memref<100000xf32, #tpu.memory_space<vmem>>[vector<16xi32>], vector<16xf32>,
      %jit3A_517 = arith.constant 0.000000e+00 : f32
      %broadcast_in_dim3A_518 = vector.broadcast %jit3A_517 : f32 to vector<16xf32>
      %select_n3A_519 = arith.select %and3A_105, %gather3A_516, %broadcast_in_dim3A_518 : vector<16xi1>, vector<16xf32>
      %gather3A_520 = tpu.vector_load_idx %arg9[%get3A_59] : memref<100000xf32, #tpu.memory_space<vmem>>[vector<16xi32>], vector<16xf32>,
      %jit3A_521 = arith.constant 0.000000e+00 : f32
      %broadcast_in_dim3A_522 = vector.broadcast %jit3A_521 : f32 to vector<16xf32>
      %select_n3A_523 = arith.select %and3A_109, %gather3A_520, %broadcast_in_dim3A_522 : vector<16xi1>, vector<16xf32>
      %swap3A_524 = arith.constant 0 : index
      %swap3A_525 = tpu.vector_load %arg13[%swap3A_524] {strides = array<i32>} : memref<208xf32, #tpu.memory_space<vmem>>, vector<16xf32>,
      tpu.vector_store %arg13[%swap3A_524], %select_n3A_519 {strides = array<i32>} : memref<208xf32, #tpu.memory_space<vmem>>, vector<16xf32>,
      %swap3A_526 = arith.constant 0 : index
      %swap3A_527 = tpu.vector_load %arg15[%swap3A_526] {strides = array<i32>} : memref<208xf32, #tpu.memory_space<vmem>>, vector<16xf32>,
      tpu.vector_store %arg15[%swap3A_526], %select_n3A_523 {strides = array<i32>} : memref<208xf32, #tpu.memory_space<vmem>>, vector<16xf32>,
      %add3A_528 = arith.addf %broadcast_in_dim3A_7, %select_n3A_519 : vector<16xf32>
      %add3A_529 = arith.addf %broadcast_in_dim3A_7, %select_n3A_523 : vector<16xf32>
      %gather3A_530 = tpu.vector_load_idx %arg9[%get3A_23] : memref<100000xf32, #tpu.memory_space<vmem>>[vector<16xi32>], vector<16xf32>,
      %jit3A_531 = arith.constant 0.000000e+00 : f32
      %broadcast_in_dim3A_532 = vector.broadcast %jit3A_531 : f32 to vector<16xf32>
      %select_n3A_533 = arith.select %and3A_124, %gather3A_530, %broadcast_in_dim3A_532 : vector<16xi1>, vector<16xf32>
      %gather3A_534 = tpu.vector_load_idx %arg9[%get3A_62] : memref<100000xf32, #tpu.memory_space<vmem>>[vector<16xi32>], vector<16xf32>,
      %jit3A_535 = arith.constant 0.000000e+00 : f32
      %broadcast_in_dim3A_536 = vector.broadcast %jit3A_535 : f32 to vector<16xf32>
      %select_n3A_537 = arith.select %and3A_128, %gather3A_534, %broadcast_in_dim3A_536 : vector<16xi1>, vector<16xf32>
      %swap3A_538 = arith.constant 16 : index
      %swap3A_539 = tpu.vector_load %arg13[%swap3A_538] {strides = array<i32>} : memref<208xf32, #tpu.memory_space<vmem>>, vector<16xf32>,
      tpu.vector_store %arg13[%swap3A_538], %select_n3A_533 {strides = array<i32>} : memref<208xf32, #tpu.memory_space<vmem>>, vector<16xf32>,
      %swap3A_540 = arith.constant 16 : index
      %swap3A_541 = tpu.vector_load %arg15[%swap3A_540] {strides = array<i32>} : memref<208xf32, #tpu.memory_space<vmem>>, vector<16xf32>,
      tpu.vector_store %arg15[%swap3A_540], %select_n3A_537 {strides = array<i32>} : memref<208xf32, #tpu.memory_space<vmem>>, vector<16xf32>,
      %add3A_542 = arith.addf %add3A_528, %select_n3A_533 : vector<16xf32>
      %add3A_543 = arith.addf %add3A_529, %select_n3A_537 : vector<16xf32>
      %gather3A_544 = tpu.vector_load_idx %arg9[%get3A_26] : memref<100000xf32, #tpu.memory_space<vmem>>[vector<16xi32>], vector<16xf32>,
      %jit3A_545 = arith.constant 0.000000e+00 : f32
      %broadcast_in_dim3A_546 = vector.broadcast %jit3A_545 : f32 to vector<16xf32>
      %select_n3A_547 = arith.select %and3A_143, %gather3A_544, %broadcast_in_dim3A_546 : vector<16xi1>, vector<16xf32>
      %gather3A_548 = tpu.vector_load_idx %arg9[%get3A_65] : memref<100000xf32, #tpu.memory_space<vmem>>[vector<16xi32>], vector<16xf32>,
      %jit3A_549 = arith.constant 0.000000e+00 : f32
      %broadcast_in_dim3A_550 = vector.broadcast %jit3A_549 : f32 to vector<16xf32>
      %select_n3A_551 = arith.select %and3A_147, %gather3A_548, %broadcast_in_dim3A_550 : vector<16xi1>, vector<16xf32>
      %swap3A_552 = arith.constant 32 : index
      %swap3A_553 = tpu.vector_load %arg13[%swap3A_552] {strides = array<i32>} : memref<208xf32, #tpu.memory_space<vmem>>, vector<16xf32>,
      tpu.vector_store %arg13[%swap3A_552], %select_n3A_547 {strides = array<i32>} : memref<208xf32, #tpu.memory_space<vmem>>, vector<16xf32>,
      %swap3A_554 = arith.constant 32 : index
      %swap3A_555 = tpu.vector_load %arg15[%swap3A_554] {strides = array<i32>} : memref<208xf32, #tpu.memory_space<vmem>>, vector<16xf32>,
      tpu.vector_store %arg15[%swap3A_554], %select_n3A_551 {strides = array<i32>} : memref<208xf32, #tpu.memory_space<vmem>>, vector<16xf32>,
      %add3A_556 = arith.addf %add3A_542, %select_n3A_547 : vector<16xf32>
      %add3A_557 = arith.addf %add3A_543, %select_n3A_551 : vector<16xf32>
      %gather3A_558 = tpu.vector_load_idx %arg9[%get3A_29] : memref<100000xf32, #tpu.memory_space<vmem>>[vector<16xi32>], vector<16xf32>,
      %jit3A_559 = arith.constant 0.000000e+00 : f32
      %broadcast_in_dim3A_560 = vector.broadcast %jit3A_559 : f32 to vector<16xf32>
      %select_n3A_561 = arith.select %and3A_162, %gather3A_558, %broadcast_in_dim3A_560 : vector<16xi1>, vector<16xf32>
      %gather3A_562 = tpu.vector_load_idx %arg9[%get3A_68] : memref<100000xf32, #tpu.memory_space<vmem>>[vector<16xi32>], vector<16xf32>,
      %jit3A_563 = arith.constant 0.000000e+00 : f32
      %broadcast_in_dim3A_564 = vector.broadcast %jit3A_563 : f32 to vector<16xf32>
      %select_n3A_565 = arith.select %and3A_166, %gather3A_562, %broadcast_in_dim3A_564 : vector<16xi1>, vector<16xf32>
      %swap3A_566 = arith.constant 48 : index
      %swap3A_567 = tpu.vector_load %arg13[%swap3A_566] {strides = array<i32>} : memref<208xf32, #tpu.memory_space<vmem>>, vector<16xf32>,
      tpu.vector_store %arg13[%swap3A_566], %select_n3A_561 {strides = array<i32>} : memref<208xf32, #tpu.memory_space<vmem>>, vector<16xf32>,
      %swap3A_568 = arith.constant 48 : index
      %swap3A_569 = tpu.vector_load %arg15[%swap3A_568] {strides = array<i32>} : memref<208xf32, #tpu.memory_space<vmem>>, vector<16xf32>,
      tpu.vector_store %arg15[%swap3A_568], %select_n3A_565 {strides = array<i32>} : memref<208xf32, #tpu.memory_space<vmem>>, vector<16xf32>,
      %add3A_570 = arith.addf %add3A_556, %select_n3A_561 : vector<16xf32>
      %add3A_571 = arith.addf %add3A_557, %select_n3A_565 : vector<16xf32>
      %gather3A_572 = tpu.vector_load_idx %arg9[%get3A_32] : memref<100000xf32, #tpu.memory_space<vmem>>[vector<16xi32>], vector<16xf32>,
      %jit3A_573 = arith.constant 0.000000e+00 : f32
      %broadcast_in_dim3A_574 = vector.broadcast %jit3A_573 : f32 to vector<16xf32>
      %select_n3A_575 = arith.select %and3A_181, %gather3A_572, %broadcast_in_dim3A_574 : vector<16xi1>, vector<16xf32>
      %gather3A_576 = tpu.vector_load_idx %arg9[%get3A_71] : memref<100000xf32, #tpu.memory_space<vmem>>[vector<16xi32>], vector<16xf32>,
      %jit3A_577 = arith.constant 0.000000e+00 : f32
      %broadcast_in_dim3A_578 = vector.broadcast %jit3A_577 : f32 to vector<16xf32>
      %select_n3A_579 = arith.select %and3A_185, %gather3A_576, %broadcast_in_dim3A_578 : vector<16xi1>, vector<16xf32>
      %swap3A_580 = arith.constant 64 : index
      %swap3A_581 = tpu.vector_load %arg13[%swap3A_580] {strides = array<i32>} : memref<208xf32, #tpu.memory_space<vmem>>, vector<16xf32>,
      tpu.vector_store %arg13[%swap3A_580], %select_n3A_575 {strides = array<i32>} : memref<208xf32, #tpu.memory_space<vmem>>, vector<16xf32>,
      %swap3A_582 = arith.constant 64 : index
      %swap3A_583 = tpu.vector_load %arg15[%swap3A_582] {strides = array<i32>} : memref<208xf32, #tpu.memory_space<vmem>>, vector<16xf32>,
      tpu.vector_store %arg15[%swap3A_582], %select_n3A_579 {strides = array<i32>} : memref<208xf32, #tpu.memory_space<vmem>>, vector<16xf32>,
      %add3A_584 = arith.addf %add3A_570, %select_n3A_575 : vector<16xf32>
      %add3A_585 = arith.addf %add3A_571, %select_n3A_579 : vector<16xf32>
      %gather3A_586 = tpu.vector_load_idx %arg9[%get3A_35] : memref<100000xf32, #tpu.memory_space<vmem>>[vector<16xi32>], vector<16xf32>,
      %jit3A_587 = arith.constant 0.000000e+00 : f32
      %broadcast_in_dim3A_588 = vector.broadcast %jit3A_587 : f32 to vector<16xf32>
      %select_n3A_589 = arith.select %and3A_200, %gather3A_586, %broadcast_in_dim3A_588 : vector<16xi1>, vector<16xf32>
      %gather3A_590 = tpu.vector_load_idx %arg9[%get3A_74] : memref<100000xf32, #tpu.memory_space<vmem>>[vector<16xi32>], vector<16xf32>,
      %jit3A_591 = arith.constant 0.000000e+00 : f32
      %broadcast_in_dim3A_592 = vector.broadcast %jit3A_591 : f32 to vector<16xf32>
      %select_n3A_593 = arith.select %and3A_204, %gather3A_590, %broadcast_in_dim3A_592 : vector<16xi1>, vector<16xf32>
      %swap3A_594 = arith.constant 80 : index
      %swap3A_595 = tpu.vector_load %arg13[%swap3A_594] {strides = array<i32>} : memref<208xf32, #tpu.memory_space<vmem>>, vector<16xf32>,
      tpu.vector_store %arg13[%swap3A_594], %select_n3A_589 {strides = array<i32>} : memref<208xf32, #tpu.memory_space<vmem>>, vector<16xf32>,
      %swap3A_596 = arith.constant 80 : index
      %swap3A_597 = tpu.vector_load %arg15[%swap3A_596] {strides = array<i32>} : memref<208xf32, #tpu.memory_space<vmem>>, vector<16xf32>,
      tpu.vector_store %arg15[%swap3A_596], %select_n3A_593 {strides = array<i32>} : memref<208xf32, #tpu.memory_space<vmem>>, vector<16xf32>,
      %add3A_598 = arith.addf %add3A_584, %select_n3A_589 : vector<16xf32>
      %add3A_599 = arith.addf %add3A_585, %select_n3A_593 : vector<16xf32>
      %gather3A_600 = tpu.vector_load_idx %arg9[%get3A_38] : memref<100000xf32, #tpu.memory_space<vmem>>[vector<16xi32>], vector<16xf32>,
      %jit3A_601 = arith.constant 0.000000e+00 : f32
      %broadcast_in_dim3A_602 = vector.broadcast %jit3A_601 : f32 to vector<16xf32>
      %select_n3A_603 = arith.select %and3A_219, %gather3A_600, %broadcast_in_dim3A_602 : vector<16xi1>, vector<16xf32>
      %gather3A_604 = tpu.vector_load_idx %arg9[%get3A_77] : memref<100000xf32, #tpu.memory_space<vmem>>[vector<16xi32>], vector<16xf32>,
      %jit3A_605 = arith.constant 0.000000e+00 : f32
      %broadcast_in_dim3A_606 = vector.broadcast %jit3A_605 : f32 to vector<16xf32>
      %select_n3A_607 = arith.select %and3A_223, %gather3A_604, %broadcast_in_dim3A_606 : vector<16xi1>, vector<16xf32>
      %swap3A_608 = arith.constant 96 : index
      %swap3A_609 = tpu.vector_load %arg13[%swap3A_608] {strides = array<i32>} : memref<208xf32, #tpu.memory_space<vmem>>, vector<16xf32>,
      tpu.vector_store %arg13[%swap3A_608], %select_n3A_603 {strides = array<i32>} : memref<208xf32, #tpu.memory_space<vmem>>, vector<16xf32>,
      %swap3A_610 = arith.constant 96 : index
      %swap3A_611 = tpu.vector_load %arg15[%swap3A_610] {strides = array<i32>} : memref<208xf32, #tpu.memory_space<vmem>>, vector<16xf32>,
      tpu.vector_store %arg15[%swap3A_610], %select_n3A_607 {strides = array<i32>} : memref<208xf32, #tpu.memory_space<vmem>>, vector<16xf32>,
      %add3A_612 = arith.addf %add3A_598, %select_n3A_603 : vector<16xf32>
      %add3A_613 = arith.addf %add3A_599, %select_n3A_607 : vector<16xf32>
      %gather3A_614 = tpu.vector_load_idx %arg9[%get3A_41] : memref<100000xf32, #tpu.memory_space<vmem>>[vector<16xi32>], vector<16xf32>,
      %jit3A_615 = arith.constant 0.000000e+00 : f32
      %broadcast_in_dim3A_616 = vector.broadcast %jit3A_615 : f32 to vector<16xf32>
      %select_n3A_617 = arith.select %and3A_238, %gather3A_614, %broadcast_in_dim3A_616 : vector<16xi1>, vector<16xf32>
      %gather3A_618 = tpu.vector_load_idx %arg9[%get3A_80] : memref<100000xf32, #tpu.memory_space<vmem>>[vector<16xi32>], vector<16xf32>,
      %jit3A_619 = arith.constant 0.000000e+00 : f32
      %broadcast_in_dim3A_620 = vector.broadcast %jit3A_619 : f32 to vector<16xf32>
      %select_n3A_621 = arith.select %and3A_242, %gather3A_618, %broadcast_in_dim3A_620 : vector<16xi1>, vector<16xf32>
      %swap3A_622 = arith.constant 112 : index
      %swap3A_623 = tpu.vector_load %arg13[%swap3A_622] {strides = array<i32>} : memref<208xf32, #tpu.memory_space<vmem>>, vector<16xf32>,
      tpu.vector_store %arg13[%swap3A_622], %select_n3A_617 {strides = array<i32>} : memref<208xf32, #tpu.memory_space<vmem>>, vector<16xf32>,
      %swap3A_624 = arith.constant 112 : index
      %swap3A_625 = tpu.vector_load %arg15[%swap3A_624] {strides = array<i32>} : memref<208xf32, #tpu.memory_space<vmem>>, vector<16xf32>,
      tpu.vector_store %arg15[%swap3A_624], %select_n3A_621 {strides = array<i32>} : memref<208xf32, #tpu.memory_space<vmem>>, vector<16xf32>,
      %add3A_626 = arith.addf %add3A_612, %select_n3A_617 : vector<16xf32>
      %add3A_627 = arith.addf %add3A_613, %select_n3A_621 : vector<16xf32>
      %gather3A_628 = tpu.vector_load_idx %arg9[%get3A_44] : memref<100000xf32, #tpu.memory_space<vmem>>[vector<16xi32>], vector<16xf32>,
      %jit3A_629 = arith.constant 0.000000e+00 : f32
      %broadcast_in_dim3A_630 = vector.broadcast %jit3A_629 : f32 to vector<16xf32>
      %select_n3A_631 = arith.select %and3A_257, %gather3A_628, %broadcast_in_dim3A_630 : vector<16xi1>, vector<16xf32>
      %gather3A_632 = tpu.vector_load_idx %arg9[%get3A_83] : memref<100000xf32, #tpu.memory_space<vmem>>[vector<16xi32>], vector<16xf32>,
      %jit3A_633 = arith.constant 0.000000e+00 : f32
      %broadcast_in_dim3A_634 = vector.broadcast %jit3A_633 : f32 to vector<16xf32>
      %select_n3A_635 = arith.select %and3A_261, %gather3A_632, %broadcast_in_dim3A_634 : vector<16xi1>, vector<16xf32>
      %swap3A_636 = arith.constant 128 : index
      %swap3A_637 = tpu.vector_load %arg13[%swap3A_636] {strides = array<i32>} : memref<208xf32, #tpu.memory_space<vmem>>, vector<16xf32>,
      tpu.vector_store %arg13[%swap3A_636], %select_n3A_631 {strides = array<i32>} : memref<208xf32, #tpu.memory_space<vmem>>, vector<16xf32>,
      %swap3A_638 = arith.constant 128 : index
      %swap3A_639 = tpu.vector_load %arg15[%swap3A_638] {strides = array<i32>} : memref<208xf32, #tpu.memory_space<vmem>>, vector<16xf32>,
      tpu.vector_store %arg15[%swap3A_638], %select_n3A_635 {strides = array<i32>} : memref<208xf32, #tpu.memory_space<vmem>>, vector<16xf32>,
      %add3A_640 = arith.addf %add3A_626, %select_n3A_631 : vector<16xf32>
      %add3A_641 = arith.addf %add3A_627, %select_n3A_635 : vector<16xf32>
      %gather3A_642 = tpu.vector_load_idx %arg9[%get3A_47] : memref<100000xf32, #tpu.memory_space<vmem>>[vector<16xi32>], vector<16xf32>,
      %jit3A_643 = arith.constant 0.000000e+00 : f32
      %broadcast_in_dim3A_644 = vector.broadcast %jit3A_643 : f32 to vector<16xf32>
      %select_n3A_645 = arith.select %and3A_276, %gather3A_642, %broadcast_in_dim3A_644 : vector<16xi1>, vector<16xf32>
      %gather3A_646 = tpu.vector_load_idx %arg9[%get3A_86] : memref<100000xf32, #tpu.memory_space<vmem>>[vector<16xi32>], vector<16xf32>,
      %jit3A_647 = arith.constant 0.000000e+00 : f32
      %broadcast_in_dim3A_648 = vector.broadcast %jit3A_647 : f32 to vector<16xf32>
      %select_n3A_649 = arith.select %and3A_280, %gather3A_646, %broadcast_in_dim3A_648 : vector<16xi1>, vector<16xf32>
      %swap3A_650 = arith.constant 144 : index
      %swap3A_651 = tpu.vector_load %arg13[%swap3A_650] {strides = array<i32>} : memref<208xf32, #tpu.memory_space<vmem>>, vector<16xf32>,
      tpu.vector_store %arg13[%swap3A_650], %select_n3A_645 {strides = array<i32>} : memref<208xf32, #tpu.memory_space<vmem>>, vector<16xf32>,
      %swap3A_652 = arith.constant 144 : index
      %swap3A_653 = tpu.vector_load %arg15[%swap3A_652] {strides = array<i32>} : memref<208xf32, #tpu.memory_space<vmem>>, vector<16xf32>,
      tpu.vector_store %arg15[%swap3A_652], %select_n3A_649 {strides = array<i32>} : memref<208xf32, #tpu.memory_space<vmem>>, vector<16xf32>,
      %add3A_654 = arith.addf %add3A_640, %select_n3A_645 : vector<16xf32>
      %add3A_655 = arith.addf %add3A_641, %select_n3A_649 : vector<16xf32>
      %gather3A_656 = tpu.vector_load_idx %arg9[%get3A_50] : memref<100000xf32, #tpu.memory_space<vmem>>[vector<16xi32>], vector<16xf32>,
      %jit3A_657 = arith.constant 0.000000e+00 : f32
      %broadcast_in_dim3A_658 = vector.broadcast %jit3A_657 : f32 to vector<16xf32>
      %select_n3A_659 = arith.select %and3A_295, %gather3A_656, %broadcast_in_dim3A_658 : vector<16xi1>, vector<16xf32>
      %gather3A_660 = tpu.vector_load_idx %arg9[%get3A_89] : memref<100000xf32, #tpu.memory_space<vmem>>[vector<16xi32>], vector<16xf32>,
      %jit3A_661 = arith.constant 0.000000e+00 : f32
      %broadcast_in_dim3A_662 = vector.broadcast %jit3A_661 : f32 to vector<16xf32>
      %select_n3A_663 = arith.select %and3A_299, %gather3A_660, %broadcast_in_dim3A_662 : vector<16xi1>, vector<16xf32>
      %swap3A_664 = arith.constant 160 : index
      %swap3A_665 = tpu.vector_load %arg13[%swap3A_664] {strides = array<i32>} : memref<208xf32, #tpu.memory_space<vmem>>, vector<16xf32>,
      tpu.vector_store %arg13[%swap3A_664], %select_n3A_659 {strides = array<i32>} : memref<208xf32, #tpu.memory_space<vmem>>, vector<16xf32>,
      %swap3A_666 = arith.constant 160 : index
      %swap3A_667 = tpu.vector_load %arg15[%swap3A_666] {strides = array<i32>} : memref<208xf32, #tpu.memory_space<vmem>>, vector<16xf32>,
      tpu.vector_store %arg15[%swap3A_666], %select_n3A_663 {strides = array<i32>} : memref<208xf32, #tpu.memory_space<vmem>>, vector<16xf32>,
      %add3A_668 = arith.addf %add3A_654, %select_n3A_659 : vector<16xf32>
      %add3A_669 = arith.addf %add3A_655, %select_n3A_663 : vector<16xf32>
      %gather3A_670 = tpu.vector_load_idx %arg9[%get3A_53] : memref<100000xf32, #tpu.memory_space<vmem>>[vector<16xi32>], vector<16xf32>,
      %jit3A_671 = arith.constant 0.000000e+00 : f32
      %broadcast_in_dim3A_672 = vector.broadcast %jit3A_671 : f32 to vector<16xf32>
      %select_n3A_673 = arith.select %and3A_314, %gather3A_670, %broadcast_in_dim3A_672 : vector<16xi1>, vector<16xf32>
      %gather3A_674 = tpu.vector_load_idx %arg9[%get3A_92] : memref<100000xf32, #tpu.memory_space<vmem>>[vector<16xi32>], vector<16xf32>,
      %jit3A_675 = arith.constant 0.000000e+00 : f32
      %broadcast_in_dim3A_676 = vector.broadcast %jit3A_675 : f32 to vector<16xf32>
      %select_n3A_677 = arith.select %and3A_318, %gather3A_674, %broadcast_in_dim3A_676 : vector<16xi1>, vector<16xf32>
      %swap3A_678 = arith.constant 176 : index
      %swap3A_679 = tpu.vector_load %arg13[%swap3A_678] {strides = array<i32>} : memref<208xf32, #tpu.memory_space<vmem>>, vector<16xf32>,
      tpu.vector_store %arg13[%swap3A_678], %select_n3A_673 {strides = array<i32>} : memref<208xf32, #tpu.memory_space<vmem>>, vector<16xf32>,
      %swap3A_680 = arith.constant 176 : index
      %swap3A_681 = tpu.vector_load %arg15[%swap3A_680] {strides = array<i32>} : memref<208xf32, #tpu.memory_space<vmem>>, vector<16xf32>,
      tpu.vector_store %arg15[%swap3A_680], %select_n3A_677 {strides = array<i32>} : memref<208xf32, #tpu.memory_space<vmem>>, vector<16xf32>,
      %add3A_682 = arith.addf %add3A_668, %select_n3A_673 : vector<16xf32>
      %add3A_683 = arith.addf %add3A_669, %select_n3A_677 : vector<16xf32>
      %gather3A_684 = tpu.vector_load_idx %arg9[%get3A_56] : memref<100000xf32, #tpu.memory_space<vmem>>[vector<16xi32>], vector<16xf32>,
      %jit3A_685 = arith.constant 0.000000e+00 : f32
      %broadcast_in_dim3A_686 = vector.broadcast %jit3A_685 : f32 to vector<16xf32>
      %select_n3A_687 = arith.select %and3A_333, %gather3A_684, %broadcast_in_dim3A_686 : vector<16xi1>, vector<16xf32>
      %gather3A_688 = tpu.vector_load_idx %arg9[%get3A_95] : memref<100000xf32, #tpu.memory_space<vmem>>[vector<16xi32>], vector<16xf32>,
      %jit3A_689 = arith.constant 0.000000e+00 : f32
      %broadcast_in_dim3A_690 = vector.broadcast %jit3A_689 : f32 to vector<16xf32>
      %select_n3A_691 = arith.select %and3A_337, %gather3A_688, %broadcast_in_dim3A_690 : vector<16xi1>, vector<16xf32>
      %swap3A_692 = arith.constant 192 : index
      %swap3A_693 = tpu.vector_load %arg13[%swap3A_692] {strides = array<i32>} : memref<208xf32, #tpu.memory_space<vmem>>, vector<16xf32>,
      tpu.vector_store %arg13[%swap3A_692], %select_n3A_687 {strides = array<i32>} : memref<208xf32, #tpu.memory_space<vmem>>, vector<16xf32>,
      %swap3A_694 = arith.constant 192 : index
      %swap3A_695 = tpu.vector_load %arg15[%swap3A_694] {strides = array<i32>} : memref<208xf32, #tpu.memory_space<vmem>>, vector<16xf32>,
      tpu.vector_store %arg15[%swap3A_694], %select_n3A_691 {strides = array<i32>} : memref<208xf32, #tpu.memory_space<vmem>>, vector<16xf32>,
      %add3A_696 = arith.addf %add3A_682, %select_n3A_687 : vector<16xf32>
      %add3A_697 = arith.addf %add3A_683, %select_n3A_691 : vector<16xf32>
      tpu.vector_store_idx %arg9[%get3A_59], %broadcast_in_dim3A_7 : memref<100000xf32, #tpu.memory_space<vmem>>[vector<16xi32>], vector<16xf32>,
      tpu.vector_store_idx %arg9[%get3A_62], %broadcast_in_dim3A_7 : memref<100000xf32, #tpu.memory_space<vmem>>[vector<16xi32>], vector<16xf32>,
      tpu.vector_store_idx %arg9[%get3A_65], %broadcast_in_dim3A_7 : memref<100000xf32, #tpu.memory_space<vmem>>[vector<16xi32>], vector<16xf32>,
      tpu.vector_store_idx %arg9[%get3A_68], %broadcast_in_dim3A_7 : memref<100000xf32, #tpu.memory_space<vmem>>[vector<16xi32>], vector<16xf32>,
      tpu.vector_store_idx %arg9[%get3A_71], %broadcast_in_dim3A_7 : memref<100000xf32, #tpu.memory_space<vmem>>[vector<16xi32>], vector<16xf32>,
      tpu.vector_store_idx %arg9[%get3A_74], %broadcast_in_dim3A_7 : memref<100000xf32, #tpu.memory_space<vmem>>[vector<16xi32>], vector<16xf32>,
      tpu.vector_store_idx %arg9[%get3A_77], %broadcast_in_dim3A_7 : memref<100000xf32, #tpu.memory_space<vmem>>[vector<16xi32>], vector<16xf32>,
      tpu.vector_store_idx %arg9[%get3A_80], %broadcast_in_dim3A_7 : memref<100000xf32, #tpu.memory_space<vmem>>[vector<16xi32>], vector<16xf32>,
      tpu.vector_store_idx %arg9[%get3A_83], %broadcast_in_dim3A_7 : memref<100000xf32, #tpu.memory_space<vmem>>[vector<16xi32>], vector<16xf32>,
      tpu.vector_store_idx %arg9[%get3A_86], %broadcast_in_dim3A_7 : memref<100000xf32, #tpu.memory_space<vmem>>[vector<16xi32>], vector<16xf32>,
      tpu.vector_store_idx %arg9[%get3A_89], %broadcast_in_dim3A_7 : memref<100000xf32, #tpu.memory_space<vmem>>[vector<16xi32>], vector<16xf32>,
      tpu.vector_store_idx %arg9[%get3A_92], %broadcast_in_dim3A_7 : memref<100000xf32, #tpu.memory_space<vmem>>[vector<16xi32>], vector<16xf32>,
      tpu.vector_store_idx %arg9[%get3A_95], %broadcast_in_dim3A_7 : memref<100000xf32, #tpu.memory_space<vmem>>[vector<16xi32>], vector<16xf32>,
      %reduce_sum3A = arith.constant true
      %reduce_sum3A_698 = vector.broadcast %reduce_sum3A : i1 to vector<16xi1>
      %reduce_sum3A_699 = tpu.scan <sum>, %add3A_514 masked %reduce_sum3A_698 : vector<16xf32>, vector<16xi1> -> vector<16xf32>
      %reduce_sum3A_700 = vector.extract %reduce_sum3A_699[15] : f32 from vector<16xf32>
      %broadcast_in_dim3A_701 = vector.broadcast %reduce_sum3A_700 : f32 to vector<16xf32>
      %add3A_702 = arith.constant 9.99999974E-6 : f32
      %add3A_703 = vector.broadcast %add3A_702 : f32 to vector<16xf32>
      %add3A_704 = arith.addf %broadcast_in_dim3A_701, %add3A_703 : vector<16xf32>
      %div3A = arith.constant 1.000000e+00 : f32
      %div3A_705 = vector.broadcast %div3A : f32 to vector<16xf32>
      %div3A_706 = arith.divf %div3A_705, %add3A_704 : vector<16xf32>
      %reduce_sum3A_707 = arith.constant true
      %reduce_sum3A_708 = vector.broadcast %reduce_sum3A_707 : i1 to vector<16xi1>
      %reduce_sum3A_709 = tpu.scan <sum>, %add3A_696 masked %reduce_sum3A_708 : vector<16xf32>, vector<16xi1> -> vector<16xf32>
      %reduce_sum3A_710 = vector.extract %reduce_sum3A_709[15] : f32 from vector<16xf32>
      %broadcast_in_dim3A_711 = vector.broadcast %reduce_sum3A_710 : f32 to vector<16xf32>
      %add3A_712 = arith.constant 9.99999974E-6 : f32
      %add3A_713 = vector.broadcast %add3A_712 : f32 to vector<16xf32>
      %add3A_714 = arith.addf %broadcast_in_dim3A_711, %add3A_713 : vector<16xf32>
      %div3A_715 = arith.constant 1.000000e+00 : f32
      %div3A_716 = vector.broadcast %div3A_715 : f32 to vector<16xf32>
      %div3A_717 = arith.divf %div3A_716, %add3A_714 : vector<16xf32>
      %reduce_sum3A_718 = arith.constant true
      %reduce_sum3A_719 = vector.broadcast %reduce_sum3A_718 : i1 to vector<16xi1>
      %reduce_sum3A_720 = tpu.scan <sum>, %add3A_515 masked %reduce_sum3A_719 : vector<16xf32>, vector<16xi1> -> vector<16xf32>
      %reduce_sum3A_721 = vector.extract %reduce_sum3A_720[15] : f32 from vector<16xf32>
      %broadcast_in_dim3A_722 = vector.broadcast %reduce_sum3A_721 : f32 to vector<16xf32>
      %add3A_723 = arith.constant 9.99999974E-6 : f32
      %add3A_724 = vector.broadcast %add3A_723 : f32 to vector<16xf32>
      %add3A_725 = arith.addf %broadcast_in_dim3A_722, %add3A_724 : vector<16xf32>
      %div3A_726 = arith.constant 1.000000e+00 : f32
      %div3A_727 = vector.broadcast %div3A_726 : f32 to vector<16xf32>
      %div3A_728 = arith.divf %div3A_727, %add3A_725 : vector<16xf32>
      %reduce_sum3A_729 = arith.constant true
      %reduce_sum3A_730 = vector.broadcast %reduce_sum3A_729 : i1 to vector<16xi1>
      %reduce_sum3A_731 = tpu.scan <sum>, %add3A_697 masked %reduce_sum3A_730 : vector<16xf32>, vector<16xi1> -> vector<16xf32>
      %reduce_sum3A_732 = vector.extract %reduce_sum3A_731[15] : f32 from vector<16xf32>
      %broadcast_in_dim3A_733 = vector.broadcast %reduce_sum3A_732 : f32 to vector<16xf32>
      %add3A_734 = arith.constant 9.99999974E-6 : f32
      %add3A_735 = vector.broadcast %add3A_734 : f32 to vector<16xf32>
      %add3A_736 = arith.addf %broadcast_in_dim3A_733, %add3A_735 : vector<16xf32>
      %div3A_737 = arith.constant 1.000000e+00 : f32
      %div3A_738 = vector.broadcast %div3A_737 : f32 to vector<16xf32>
      %div3A_739 = arith.divf %div3A_738, %add3A_736 : vector<16xf32>
      %get3A_740 = arith.constant 0 : index
      %get3A_741 = tpu.vector_load %arg12[%get3A_740] {strides = array<i32>} : memref<208xf32, #tpu.memory_space<vmem>>, vector<16xf32>,
      %mul3A_742 = arith.mulf %get3A_741, %div3A_706 : vector<16xf32>
      %swap3A_743 = arith.constant 0 : index
      %swap3A_744 = tpu.vector_load %arg12[%swap3A_743] {strides = array<i32>} : memref<208xf32, #tpu.memory_space<vmem>>, vector<16xf32>,
      tpu.vector_store %arg12[%swap3A_743], %mul3A_742 {strides = array<i32>} : memref<208xf32, #tpu.memory_space<vmem>>, vector<16xf32>,
      %get3A_745 = arith.constant 0 : index
      %get3A_746 = tpu.vector_load %arg13[%get3A_745] {strides = array<i32>} : memref<208xf32, #tpu.memory_space<vmem>>, vector<16xf32>,
      %mul3A_747 = arith.mulf %get3A_746, %div3A_717 : vector<16xf32>
      %swap3A_748 = arith.constant 0 : index
      %swap3A_749 = tpu.vector_load %arg13[%swap3A_748] {strides = array<i32>} : memref<208xf32, #tpu.memory_space<vmem>>, vector<16xf32>,
      tpu.vector_store %arg13[%swap3A_748], %mul3A_747 {strides = array<i32>} : memref<208xf32, #tpu.memory_space<vmem>>, vector<16xf32>,
      %get3A_750 = arith.constant 0 : index
      %get3A_751 = tpu.vector_load %arg14[%get3A_750] {strides = array<i32>} : memref<208xf32, #tpu.memory_space<vmem>>, vector<16xf32>,
      %mul3A_752 = arith.mulf %get3A_751, %div3A_728 : vector<16xf32>
      %swap3A_753 = arith.constant 0 : index
      %swap3A_754 = tpu.vector_load %arg14[%swap3A_753] {strides = array<i32>} : memref<208xf32, #tpu.memory_space<vmem>>, vector<16xf32>,
      tpu.vector_store %arg14[%swap3A_753], %mul3A_752 {strides = array<i32>} : memref<208xf32, #tpu.memory_space<vmem>>, vector<16xf32>,
      %get3A_755 = arith.constant 0 : index
      %get3A_756 = tpu.vector_load %arg15[%get3A_755] {strides = array<i32>} : memref<208xf32, #tpu.memory_space<vmem>>, vector<16xf32>,
      %mul3A_757 = arith.mulf %get3A_756, %div3A_739 : vector<16xf32>
      %swap3A_758 = arith.constant 0 : index
      %swap3A_759 = tpu.vector_load %arg15[%swap3A_758] {strides = array<i32>} : memref<208xf32, #tpu.memory_space<vmem>>, vector<16xf32>,
      tpu.vector_store %arg15[%swap3A_758], %mul3A_757 {strides = array<i32>} : memref<208xf32, #tpu.memory_space<vmem>>, vector<16xf32>,
      %get3A_760 = arith.constant 16 : index
      %get3A_761 = tpu.vector_load %arg12[%get3A_760] {strides = array<i32>} : memref<208xf32, #tpu.memory_space<vmem>>, vector<16xf32>,
      %mul3A_762 = arith.mulf %get3A_761, %div3A_706 : vector<16xf32>
      %swap3A_763 = arith.constant 16 : index
      %swap3A_764 = tpu.vector_load %arg12[%swap3A_763] {strides = array<i32>} : memref<208xf32, #tpu.memory_space<vmem>>, vector<16xf32>,
      tpu.vector_store %arg12[%swap3A_763], %mul3A_762 {strides = array<i32>} : memref<208xf32, #tpu.memory_space<vmem>>, vector<16xf32>,
      %get3A_765 = arith.constant 16 : index
      %get3A_766 = tpu.vector_load %arg13[%get3A_765] {strides = array<i32>} : memref<208xf32, #tpu.memory_space<vmem>>, vector<16xf32>,
      %mul3A_767 = arith.mulf %get3A_766, %div3A_717 : vector<16xf32>
      %swap3A_768 = arith.constant 16 : index
      %swap3A_769 = tpu.vector_load %arg13[%swap3A_768] {strides = array<i32>} : memref<208xf32, #tpu.memory_space<vmem>>, vector<16xf32>,
      tpu.vector_store %arg13[%swap3A_768], %mul3A_767 {strides = array<i32>} : memref<208xf32, #tpu.memory_space<vmem>>, vector<16xf32>,
      %get3A_770 = arith.constant 16 : index
      %get3A_771 = tpu.vector_load %arg14[%get3A_770] {strides = array<i32>} : memref<208xf32, #tpu.memory_space<vmem>>, vector<16xf32>,
      %mul3A_772 = arith.mulf %get3A_771, %div3A_728 : vector<16xf32>
      %swap3A_773 = arith.constant 16 : index
      %swap3A_774 = tpu.vector_load %arg14[%swap3A_773] {strides = array<i32>} : memref<208xf32, #tpu.memory_space<vmem>>, vector<16xf32>,
      tpu.vector_store %arg14[%swap3A_773], %mul3A_772 {strides = array<i32>} : memref<208xf32, #tpu.memory_space<vmem>>, vector<16xf32>,
      %get3A_775 = arith.constant 16 : index
      %get3A_776 = tpu.vector_load %arg15[%get3A_775] {strides = array<i32>} : memref<208xf32, #tpu.memory_space<vmem>>, vector<16xf32>,
      %mul3A_777 = arith.mulf %get3A_776, %div3A_739 : vector<16xf32>
      %swap3A_778 = arith.constant 16 : index
      %swap3A_779 = tpu.vector_load %arg15[%swap3A_778] {strides = array<i32>} : memref<208xf32, #tpu.memory_space<vmem>>, vector<16xf32>,
      tpu.vector_store %arg15[%swap3A_778], %mul3A_777 {strides = array<i32>} : memref<208xf32, #tpu.memory_space<vmem>>, vector<16xf32>,
      %get3A_780 = arith.constant 32 : index
      %get3A_781 = tpu.vector_load %arg12[%get3A_780] {strides = array<i32>} : memref<208xf32, #tpu.memory_space<vmem>>, vector<16xf32>,
      %mul3A_782 = arith.mulf %get3A_781, %div3A_706 : vector<16xf32>
      %swap3A_783 = arith.constant 32 : index
      %swap3A_784 = tpu.vector_load %arg12[%swap3A_783] {strides = array<i32>} : memref<208xf32, #tpu.memory_space<vmem>>, vector<16xf32>,
      tpu.vector_store %arg12[%swap3A_783], %mul3A_782 {strides = array<i32>} : memref<208xf32, #tpu.memory_space<vmem>>, vector<16xf32>,
      %get3A_785 = arith.constant 32 : index
      %get3A_786 = tpu.vector_load %arg13[%get3A_785] {strides = array<i32>} : memref<208xf32, #tpu.memory_space<vmem>>, vector<16xf32>,
      %mul3A_787 = arith.mulf %get3A_786, %div3A_717 : vector<16xf32>
      %swap3A_788 = arith.constant 32 : index
      %swap3A_789 = tpu.vector_load %arg13[%swap3A_788] {strides = array<i32>} : memref<208xf32, #tpu.memory_space<vmem>>, vector<16xf32>,
      tpu.vector_store %arg13[%swap3A_788], %mul3A_787 {strides = array<i32>} : memref<208xf32, #tpu.memory_space<vmem>>, vector<16xf32>,
      %get3A_790 = arith.constant 32 : index
      %get3A_791 = tpu.vector_load %arg14[%get3A_790] {strides = array<i32>} : memref<208xf32, #tpu.memory_space<vmem>>, vector<16xf32>,
      %mul3A_792 = arith.mulf %get3A_791, %div3A_728 : vector<16xf32>
      %swap3A_793 = arith.constant 32 : index
      %swap3A_794 = tpu.vector_load %arg14[%swap3A_793] {strides = array<i32>} : memref<208xf32, #tpu.memory_space<vmem>>, vector<16xf32>,
      tpu.vector_store %arg14[%swap3A_793], %mul3A_792 {strides = array<i32>} : memref<208xf32, #tpu.memory_space<vmem>>, vector<16xf32>,
      %get3A_795 = arith.constant 32 : index
      %get3A_796 = tpu.vector_load %arg15[%get3A_795] {strides = array<i32>} : memref<208xf32, #tpu.memory_space<vmem>>, vector<16xf32>,
      %mul3A_797 = arith.mulf %get3A_796, %div3A_739 : vector<16xf32>
      %swap3A_798 = arith.constant 32 : index
      %swap3A_799 = tpu.vector_load %arg15[%swap3A_798] {strides = array<i32>} : memref<208xf32, #tpu.memory_space<vmem>>, vector<16xf32>,
      tpu.vector_store %arg15[%swap3A_798], %mul3A_797 {strides = array<i32>} : memref<208xf32, #tpu.memory_space<vmem>>, vector<16xf32>,
      %get3A_800 = arith.constant 48 : index
      %get3A_801 = tpu.vector_load %arg12[%get3A_800] {strides = array<i32>} : memref<208xf32, #tpu.memory_space<vmem>>, vector<16xf32>,
      %mul3A_802 = arith.mulf %get3A_801, %div3A_706 : vector<16xf32>
      %swap3A_803 = arith.constant 48 : index
      %swap3A_804 = tpu.vector_load %arg12[%swap3A_803] {strides = array<i32>} : memref<208xf32, #tpu.memory_space<vmem>>, vector<16xf32>,
      tpu.vector_store %arg12[%swap3A_803], %mul3A_802 {strides = array<i32>} : memref<208xf32, #tpu.memory_space<vmem>>, vector<16xf32>,
      %get3A_805 = arith.constant 48 : index
      %get3A_806 = tpu.vector_load %arg13[%get3A_805] {strides = array<i32>} : memref<208xf32, #tpu.memory_space<vmem>>, vector<16xf32>,
      %mul3A_807 = arith.mulf %get3A_806, %div3A_717 : vector<16xf32>
      %swap3A_808 = arith.constant 48 : index
      %swap3A_809 = tpu.vector_load %arg13[%swap3A_808] {strides = array<i32>} : memref<208xf32, #tpu.memory_space<vmem>>, vector<16xf32>,
      tpu.vector_store %arg13[%swap3A_808], %mul3A_807 {strides = array<i32>} : memref<208xf32, #tpu.memory_space<vmem>>, vector<16xf32>,
      %get3A_810 = arith.constant 48 : index
      %get3A_811 = tpu.vector_load %arg14[%get3A_810] {strides = array<i32>} : memref<208xf32, #tpu.memory_space<vmem>>, vector<16xf32>,
      %mul3A_812 = arith.mulf %get3A_811, %div3A_728 : vector<16xf32>
      %swap3A_813 = arith.constant 48 : index
      %swap3A_814 = tpu.vector_load %arg14[%swap3A_813] {strides = array<i32>} : memref<208xf32, #tpu.memory_space<vmem>>, vector<16xf32>,
      tpu.vector_store %arg14[%swap3A_813], %mul3A_812 {strides = array<i32>} : memref<208xf32, #tpu.memory_space<vmem>>, vector<16xf32>,
      %get3A_815 = arith.constant 48 : index
      %get3A_816 = tpu.vector_load %arg15[%get3A_815] {strides = array<i32>} : memref<208xf32, #tpu.memory_space<vmem>>, vector<16xf32>,
      %mul3A_817 = arith.mulf %get3A_816, %div3A_739 : vector<16xf32>
      %swap3A_818 = arith.constant 48 : index
      %swap3A_819 = tpu.vector_load %arg15[%swap3A_818] {strides = array<i32>} : memref<208xf32, #tpu.memory_space<vmem>>, vector<16xf32>,
      tpu.vector_store %arg15[%swap3A_818], %mul3A_817 {strides = array<i32>} : memref<208xf32, #tpu.memory_space<vmem>>, vector<16xf32>,
      %get3A_820 = arith.constant 64 : index
      %get3A_821 = tpu.vector_load %arg12[%get3A_820] {strides = array<i32>} : memref<208xf32, #tpu.memory_space<vmem>>, vector<16xf32>,
      %mul3A_822 = arith.mulf %get3A_821, %div3A_706 : vector<16xf32>
      %swap3A_823 = arith.constant 64 : index
      %swap3A_824 = tpu.vector_load %arg12[%swap3A_823] {strides = array<i32>} : memref<208xf32, #tpu.memory_space<vmem>>, vector<16xf32>,
      tpu.vector_store %arg12[%swap3A_823], %mul3A_822 {strides = array<i32>} : memref<208xf32, #tpu.memory_space<vmem>>, vector<16xf32>,
      %get3A_825 = arith.constant 64 : index
      %get3A_826 = tpu.vector_load %arg13[%get3A_825] {strides = array<i32>} : memref<208xf32, #tpu.memory_space<vmem>>, vector<16xf32>,
      %mul3A_827 = arith.mulf %get3A_826, %div3A_717 : vector<16xf32>
      %swap3A_828 = arith.constant 64 : index
      %swap3A_829 = tpu.vector_load %arg13[%swap3A_828] {strides = array<i32>} : memref<208xf32, #tpu.memory_space<vmem>>, vector<16xf32>,
      tpu.vector_store %arg13[%swap3A_828], %mul3A_827 {strides = array<i32>} : memref<208xf32, #tpu.memory_space<vmem>>, vector<16xf32>,
      %get3A_830 = arith.constant 64 : index
      %get3A_831 = tpu.vector_load %arg14[%get3A_830] {strides = array<i32>} : memref<208xf32, #tpu.memory_space<vmem>>, vector<16xf32>,
      %mul3A_832 = arith.mulf %get3A_831, %div3A_728 : vector<16xf32>
      %swap3A_833 = arith.constant 64 : index
      %swap3A_834 = tpu.vector_load %arg14[%swap3A_833] {strides = array<i32>} : memref<208xf32, #tpu.memory_space<vmem>>, vector<16xf32>,
      tpu.vector_store %arg14[%swap3A_833], %mul3A_832 {strides = array<i32>} : memref<208xf32, #tpu.memory_space<vmem>>, vector<16xf32>,
      %get3A_835 = arith.constant 64 : index
      %get3A_836 = tpu.vector_load %arg15[%get3A_835] {strides = array<i32>} : memref<208xf32, #tpu.memory_space<vmem>>, vector<16xf32>,
      %mul3A_837 = arith.mulf %get3A_836, %div3A_739 : vector<16xf32>
      %swap3A_838 = arith.constant 64 : index
      %swap3A_839 = tpu.vector_load %arg15[%swap3A_838] {strides = array<i32>} : memref<208xf32, #tpu.memory_space<vmem>>, vector<16xf32>,
      tpu.vector_store %arg15[%swap3A_838], %mul3A_837 {strides = array<i32>} : memref<208xf32, #tpu.memory_space<vmem>>, vector<16xf32>,
      %get3A_840 = arith.constant 80 : index
      %get3A_841 = tpu.vector_load %arg12[%get3A_840] {strides = array<i32>} : memref<208xf32, #tpu.memory_space<vmem>>, vector<16xf32>,
      %mul3A_842 = arith.mulf %get3A_841, %div3A_706 : vector<16xf32>
      %swap3A_843 = arith.constant 80 : index
      %swap3A_844 = tpu.vector_load %arg12[%swap3A_843] {strides = array<i32>} : memref<208xf32, #tpu.memory_space<vmem>>, vector<16xf32>,
      tpu.vector_store %arg12[%swap3A_843], %mul3A_842 {strides = array<i32>} : memref<208xf32, #tpu.memory_space<vmem>>, vector<16xf32>,
      %get3A_845 = arith.constant 80 : index
      %get3A_846 = tpu.vector_load %arg13[%get3A_845] {strides = array<i32>} : memref<208xf32, #tpu.memory_space<vmem>>, vector<16xf32>,
      %mul3A_847 = arith.mulf %get3A_846, %div3A_717 : vector<16xf32>
      %swap3A_848 = arith.constant 80 : index
      %swap3A_849 = tpu.vector_load %arg13[%swap3A_848] {strides = array<i32>} : memref<208xf32, #tpu.memory_space<vmem>>, vector<16xf32>,
      tpu.vector_store %arg13[%swap3A_848], %mul3A_847 {strides = array<i32>} : memref<208xf32, #tpu.memory_space<vmem>>, vector<16xf32>,
      %get3A_850 = arith.constant 80 : index
      %get3A_851 = tpu.vector_load %arg14[%get3A_850] {strides = array<i32>} : memref<208xf32, #tpu.memory_space<vmem>>, vector<16xf32>,
      %mul3A_852 = arith.mulf %get3A_851, %div3A_728 : vector<16xf32>
      %swap3A_853 = arith.constant 80 : index
      %swap3A_854 = tpu.vector_load %arg14[%swap3A_853] {strides = array<i32>} : memref<208xf32, #tpu.memory_space<vmem>>, vector<16xf32>,
      tpu.vector_store %arg14[%swap3A_853], %mul3A_852 {strides = array<i32>} : memref<208xf32, #tpu.memory_space<vmem>>, vector<16xf32>,
      %get3A_855 = arith.constant 80 : index
      %get3A_856 = tpu.vector_load %arg15[%get3A_855] {strides = array<i32>} : memref<208xf32, #tpu.memory_space<vmem>>, vector<16xf32>,
      %mul3A_857 = arith.mulf %get3A_856, %div3A_739 : vector<16xf32>
      %swap3A_858 = arith.constant 80 : index
      %swap3A_859 = tpu.vector_load %arg15[%swap3A_858] {strides = array<i32>} : memref<208xf32, #tpu.memory_space<vmem>>, vector<16xf32>,
      tpu.vector_store %arg15[%swap3A_858], %mul3A_857 {strides = array<i32>} : memref<208xf32, #tpu.memory_space<vmem>>, vector<16xf32>,
      %get3A_860 = arith.constant 96 : index
      %get3A_861 = tpu.vector_load %arg12[%get3A_860] {strides = array<i32>} : memref<208xf32, #tpu.memory_space<vmem>>, vector<16xf32>,
      %mul3A_862 = arith.mulf %get3A_861, %div3A_706 : vector<16xf32>
      %swap3A_863 = arith.constant 96 : index
      %swap3A_864 = tpu.vector_load %arg12[%swap3A_863] {strides = array<i32>} : memref<208xf32, #tpu.memory_space<vmem>>, vector<16xf32>,
      tpu.vector_store %arg12[%swap3A_863], %mul3A_862 {strides = array<i32>} : memref<208xf32, #tpu.memory_space<vmem>>, vector<16xf32>,
      %get3A_865 = arith.constant 96 : index
      %get3A_866 = tpu.vector_load %arg13[%get3A_865] {strides = array<i32>} : memref<208xf32, #tpu.memory_space<vmem>>, vector<16xf32>,
      %mul3A_867 = arith.mulf %get3A_866, %div3A_717 : vector<16xf32>
      %swap3A_868 = arith.constant 96 : index
      %swap3A_869 = tpu.vector_load %arg13[%swap3A_868] {strides = array<i32>} : memref<208xf32, #tpu.memory_space<vmem>>, vector<16xf32>,
      tpu.vector_store %arg13[%swap3A_868], %mul3A_867 {strides = array<i32>} : memref<208xf32, #tpu.memory_space<vmem>>, vector<16xf32>,
      %get3A_870 = arith.constant 96 : index
      %get3A_871 = tpu.vector_load %arg14[%get3A_870] {strides = array<i32>} : memref<208xf32, #tpu.memory_space<vmem>>, vector<16xf32>,
      %mul3A_872 = arith.mulf %get3A_871, %div3A_728 : vector<16xf32>
      %swap3A_873 = arith.constant 96 : index
      %swap3A_874 = tpu.vector_load %arg14[%swap3A_873] {strides = array<i32>} : memref<208xf32, #tpu.memory_space<vmem>>, vector<16xf32>,
      tpu.vector_store %arg14[%swap3A_873], %mul3A_872 {strides = array<i32>} : memref<208xf32, #tpu.memory_space<vmem>>, vector<16xf32>,
      %get3A_875 = arith.constant 96 : index
      %get3A_876 = tpu.vector_load %arg15[%get3A_875] {strides = array<i32>} : memref<208xf32, #tpu.memory_space<vmem>>, vector<16xf32>,
      %mul3A_877 = arith.mulf %get3A_876, %div3A_739 : vector<16xf32>
      %swap3A_878 = arith.constant 96 : index
      %swap3A_879 = tpu.vector_load %arg15[%swap3A_878] {strides = array<i32>} : memref<208xf32, #tpu.memory_space<vmem>>, vector<16xf32>,
      tpu.vector_store %arg15[%swap3A_878], %mul3A_877 {strides = array<i32>} : memref<208xf32, #tpu.memory_space<vmem>>, vector<16xf32>,
      %get3A_880 = arith.constant 112 : index
      %get3A_881 = tpu.vector_load %arg12[%get3A_880] {strides = array<i32>} : memref<208xf32, #tpu.memory_space<vmem>>, vector<16xf32>,
      %mul3A_882 = arith.mulf %get3A_881, %div3A_706 : vector<16xf32>
      %swap3A_883 = arith.constant 112 : index
      %swap3A_884 = tpu.vector_load %arg12[%swap3A_883] {strides = array<i32>} : memref<208xf32, #tpu.memory_space<vmem>>, vector<16xf32>,
      tpu.vector_store %arg12[%swap3A_883], %mul3A_882 {strides = array<i32>} : memref<208xf32, #tpu.memory_space<vmem>>, vector<16xf32>,
      %get3A_885 = arith.constant 112 : index
      %get3A_886 = tpu.vector_load %arg13[%get3A_885] {strides = array<i32>} : memref<208xf32, #tpu.memory_space<vmem>>, vector<16xf32>,
      %mul3A_887 = arith.mulf %get3A_886, %div3A_717 : vector<16xf32>
      %swap3A_888 = arith.constant 112 : index
      %swap3A_889 = tpu.vector_load %arg13[%swap3A_888] {strides = array<i32>} : memref<208xf32, #tpu.memory_space<vmem>>, vector<16xf32>,
      tpu.vector_store %arg13[%swap3A_888], %mul3A_887 {strides = array<i32>} : memref<208xf32, #tpu.memory_space<vmem>>, vector<16xf32>,
      %get3A_890 = arith.constant 112 : index
      %get3A_891 = tpu.vector_load %arg14[%get3A_890] {strides = array<i32>} : memref<208xf32, #tpu.memory_space<vmem>>, vector<16xf32>,
      %mul3A_892 = arith.mulf %get3A_891, %div3A_728 : vector<16xf32>
      %swap3A_893 = arith.constant 112 : index
      %swap3A_894 = tpu.vector_load %arg14[%swap3A_893] {strides = array<i32>} : memref<208xf32, #tpu.memory_space<vmem>>, vector<16xf32>,
      tpu.vector_store %arg14[%swap3A_893], %mul3A_892 {strides = array<i32>} : memref<208xf32, #tpu.memory_space<vmem>>, vector<16xf32>,
      %get3A_895 = arith.constant 112 : index
      %get3A_896 = tpu.vector_load %arg15[%get3A_895] {strides = array<i32>} : memref<208xf32, #tpu.memory_space<vmem>>, vector<16xf32>,
      %mul3A_897 = arith.mulf %get3A_896, %div3A_739 : vector<16xf32>
      %swap3A_898 = arith.constant 112 : index
      %swap3A_899 = tpu.vector_load %arg15[%swap3A_898] {strides = array<i32>} : memref<208xf32, #tpu.memory_space<vmem>>, vector<16xf32>,
      tpu.vector_store %arg15[%swap3A_898], %mul3A_897 {strides = array<i32>} : memref<208xf32, #tpu.memory_space<vmem>>, vector<16xf32>,
      %get3A_900 = arith.constant 128 : index
      %get3A_901 = tpu.vector_load %arg12[%get3A_900] {strides = array<i32>} : memref<208xf32, #tpu.memory_space<vmem>>, vector<16xf32>,
      %mul3A_902 = arith.mulf %get3A_901, %div3A_706 : vector<16xf32>
      %swap3A_903 = arith.constant 128 : index
      %swap3A_904 = tpu.vector_load %arg12[%swap3A_903] {strides = array<i32>} : memref<208xf32, #tpu.memory_space<vmem>>, vector<16xf32>,
      tpu.vector_store %arg12[%swap3A_903], %mul3A_902 {strides = array<i32>} : memref<208xf32, #tpu.memory_space<vmem>>, vector<16xf32>,
      %get3A_905 = arith.constant 128 : index
      %get3A_906 = tpu.vector_load %arg13[%get3A_905] {strides = array<i32>} : memref<208xf32, #tpu.memory_space<vmem>>, vector<16xf32>,
      %mul3A_907 = arith.mulf %get3A_906, %div3A_717 : vector<16xf32>
      %swap3A_908 = arith.constant 128 : index
      %swap3A_909 = tpu.vector_load %arg13[%swap3A_908] {strides = array<i32>} : memref<208xf32, #tpu.memory_space<vmem>>, vector<16xf32>,
      tpu.vector_store %arg13[%swap3A_908], %mul3A_907 {strides = array<i32>} : memref<208xf32, #tpu.memory_space<vmem>>, vector<16xf32>,
      %get3A_910 = arith.constant 128 : index
      %get3A_911 = tpu.vector_load %arg14[%get3A_910] {strides = array<i32>} : memref<208xf32, #tpu.memory_space<vmem>>, vector<16xf32>,
      %mul3A_912 = arith.mulf %get3A_911, %div3A_728 : vector<16xf32>
      %swap3A_913 = arith.constant 128 : index
      %swap3A_914 = tpu.vector_load %arg14[%swap3A_913] {strides = array<i32>} : memref<208xf32, #tpu.memory_space<vmem>>, vector<16xf32>,
      tpu.vector_store %arg14[%swap3A_913], %mul3A_912 {strides = array<i32>} : memref<208xf32, #tpu.memory_space<vmem>>, vector<16xf32>,
      %get3A_915 = arith.constant 128 : index
      %get3A_916 = tpu.vector_load %arg15[%get3A_915] {strides = array<i32>} : memref<208xf32, #tpu.memory_space<vmem>>, vector<16xf32>,
      %mul3A_917 = arith.mulf %get3A_916, %div3A_739 : vector<16xf32>
      %swap3A_918 = arith.constant 128 : index
      %swap3A_919 = tpu.vector_load %arg15[%swap3A_918] {strides = array<i32>} : memref<208xf32, #tpu.memory_space<vmem>>, vector<16xf32>,
      tpu.vector_store %arg15[%swap3A_918], %mul3A_917 {strides = array<i32>} : memref<208xf32, #tpu.memory_space<vmem>>, vector<16xf32>,
      %get3A_920 = arith.constant 144 : index
      %get3A_921 = tpu.vector_load %arg12[%get3A_920] {strides = array<i32>} : memref<208xf32, #tpu.memory_space<vmem>>, vector<16xf32>,
      %mul3A_922 = arith.mulf %get3A_921, %div3A_706 : vector<16xf32>
      %swap3A_923 = arith.constant 144 : index
      %swap3A_924 = tpu.vector_load %arg12[%swap3A_923] {strides = array<i32>} : memref<208xf32, #tpu.memory_space<vmem>>, vector<16xf32>,
      tpu.vector_store %arg12[%swap3A_923], %mul3A_922 {strides = array<i32>} : memref<208xf32, #tpu.memory_space<vmem>>, vector<16xf32>,
      %get3A_925 = arith.constant 144 : index
      %get3A_926 = tpu.vector_load %arg13[%get3A_925] {strides = array<i32>} : memref<208xf32, #tpu.memory_space<vmem>>, vector<16xf32>,
      %mul3A_927 = arith.mulf %get3A_926, %div3A_717 : vector<16xf32>
      %swap3A_928 = arith.constant 144 : index
      %swap3A_929 = tpu.vector_load %arg13[%swap3A_928] {strides = array<i32>} : memref<208xf32, #tpu.memory_space<vmem>>, vector<16xf32>,
      tpu.vector_store %arg13[%swap3A_928], %mul3A_927 {strides = array<i32>} : memref<208xf32, #tpu.memory_space<vmem>>, vector<16xf32>,
      %get3A_930 = arith.constant 144 : index
      %get3A_931 = tpu.vector_load %arg14[%get3A_930] {strides = array<i32>} : memref<208xf32, #tpu.memory_space<vmem>>, vector<16xf32>,
      %mul3A_932 = arith.mulf %get3A_931, %div3A_728 : vector<16xf32>
      %swap3A_933 = arith.constant 144 : index
      %swap3A_934 = tpu.vector_load %arg14[%swap3A_933] {strides = array<i32>} : memref<208xf32, #tpu.memory_space<vmem>>, vector<16xf32>,
      tpu.vector_store %arg14[%swap3A_933], %mul3A_932 {strides = array<i32>} : memref<208xf32, #tpu.memory_space<vmem>>, vector<16xf32>,
      %get3A_935 = arith.constant 144 : index
      %get3A_936 = tpu.vector_load %arg15[%get3A_935] {strides = array<i32>} : memref<208xf32, #tpu.memory_space<vmem>>, vector<16xf32>,
      %mul3A_937 = arith.mulf %get3A_936, %div3A_739 : vector<16xf32>
      %swap3A_938 = arith.constant 144 : index
      %swap3A_939 = tpu.vector_load %arg15[%swap3A_938] {strides = array<i32>} : memref<208xf32, #tpu.memory_space<vmem>>, vector<16xf32>,
      tpu.vector_store %arg15[%swap3A_938], %mul3A_937 {strides = array<i32>} : memref<208xf32, #tpu.memory_space<vmem>>, vector<16xf32>,
      %get3A_940 = arith.constant 160 : index
      %get3A_941 = tpu.vector_load %arg12[%get3A_940] {strides = array<i32>} : memref<208xf32, #tpu.memory_space<vmem>>, vector<16xf32>,
      %mul3A_942 = arith.mulf %get3A_941, %div3A_706 : vector<16xf32>
      %swap3A_943 = arith.constant 160 : index
      %swap3A_944 = tpu.vector_load %arg12[%swap3A_943] {strides = array<i32>} : memref<208xf32, #tpu.memory_space<vmem>>, vector<16xf32>,
      tpu.vector_store %arg12[%swap3A_943], %mul3A_942 {strides = array<i32>} : memref<208xf32, #tpu.memory_space<vmem>>, vector<16xf32>,
      %get3A_945 = arith.constant 160 : index
      %get3A_946 = tpu.vector_load %arg13[%get3A_945] {strides = array<i32>} : memref<208xf32, #tpu.memory_space<vmem>>, vector<16xf32>,
      %mul3A_947 = arith.mulf %get3A_946, %div3A_717 : vector<16xf32>
      %swap3A_948 = arith.constant 160 : index
      %swap3A_949 = tpu.vector_load %arg13[%swap3A_948] {strides = array<i32>} : memref<208xf32, #tpu.memory_space<vmem>>, vector<16xf32>,
      tpu.vector_store %arg13[%swap3A_948], %mul3A_947 {strides = array<i32>} : memref<208xf32, #tpu.memory_space<vmem>>, vector<16xf32>,
      %get3A_950 = arith.constant 160 : index
      %get3A_951 = tpu.vector_load %arg14[%get3A_950] {strides = array<i32>} : memref<208xf32, #tpu.memory_space<vmem>>, vector<16xf32>,
      %mul3A_952 = arith.mulf %get3A_951, %div3A_728 : vector<16xf32>
      %swap3A_953 = arith.constant 160 : index
      %swap3A_954 = tpu.vector_load %arg14[%swap3A_953] {strides = array<i32>} : memref<208xf32, #tpu.memory_space<vmem>>, vector<16xf32>,
      tpu.vector_store %arg14[%swap3A_953], %mul3A_952 {strides = array<i32>} : memref<208xf32, #tpu.memory_space<vmem>>, vector<16xf32>,
      %get3A_955 = arith.constant 160 : index
      %get3A_956 = tpu.vector_load %arg15[%get3A_955] {strides = array<i32>} : memref<208xf32, #tpu.memory_space<vmem>>, vector<16xf32>,
      %mul3A_957 = arith.mulf %get3A_956, %div3A_739 : vector<16xf32>
      %swap3A_958 = arith.constant 160 : index
      %swap3A_959 = tpu.vector_load %arg15[%swap3A_958] {strides = array<i32>} : memref<208xf32, #tpu.memory_space<vmem>>, vector<16xf32>,
      tpu.vector_store %arg15[%swap3A_958], %mul3A_957 {strides = array<i32>} : memref<208xf32, #tpu.memory_space<vmem>>, vector<16xf32>,
      %get3A_960 = arith.constant 176 : index
      %get3A_961 = tpu.vector_load %arg12[%get3A_960] {strides = array<i32>} : memref<208xf32, #tpu.memory_space<vmem>>, vector<16xf32>,
      %mul3A_962 = arith.mulf %get3A_961, %div3A_706 : vector<16xf32>
      %swap3A_963 = arith.constant 176 : index
      %swap3A_964 = tpu.vector_load %arg12[%swap3A_963] {strides = array<i32>} : memref<208xf32, #tpu.memory_space<vmem>>, vector<16xf32>,
      tpu.vector_store %arg12[%swap3A_963], %mul3A_962 {strides = array<i32>} : memref<208xf32, #tpu.memory_space<vmem>>, vector<16xf32>,
      %get3A_965 = arith.constant 176 : index
      %get3A_966 = tpu.vector_load %arg13[%get3A_965] {strides = array<i32>} : memref<208xf32, #tpu.memory_space<vmem>>, vector<16xf32>,
      %mul3A_967 = arith.mulf %get3A_966, %div3A_717 : vector<16xf32>
      %swap3A_968 = arith.constant 176 : index
      %swap3A_969 = tpu.vector_load %arg13[%swap3A_968] {strides = array<i32>} : memref<208xf32, #tpu.memory_space<vmem>>, vector<16xf32>,
      tpu.vector_store %arg13[%swap3A_968], %mul3A_967 {strides = array<i32>} : memref<208xf32, #tpu.memory_space<vmem>>, vector<16xf32>,
      %get3A_970 = arith.constant 176 : index
      %get3A_971 = tpu.vector_load %arg14[%get3A_970] {strides = array<i32>} : memref<208xf32, #tpu.memory_space<vmem>>, vector<16xf32>,
      %mul3A_972 = arith.mulf %get3A_971, %div3A_728 : vector<16xf32>
      %swap3A_973 = arith.constant 176 : index
      %swap3A_974 = tpu.vector_load %arg14[%swap3A_973] {strides = array<i32>} : memref<208xf32, #tpu.memory_space<vmem>>, vector<16xf32>,
      tpu.vector_store %arg14[%swap3A_973], %mul3A_972 {strides = array<i32>} : memref<208xf32, #tpu.memory_space<vmem>>, vector<16xf32>,
      %get3A_975 = arith.constant 176 : index
      %get3A_976 = tpu.vector_load %arg15[%get3A_975] {strides = array<i32>} : memref<208xf32, #tpu.memory_space<vmem>>, vector<16xf32>,
      %mul3A_977 = arith.mulf %get3A_976, %div3A_739 : vector<16xf32>
      %swap3A_978 = arith.constant 176 : index
      %swap3A_979 = tpu.vector_load %arg15[%swap3A_978] {strides = array<i32>} : memref<208xf32, #tpu.memory_space<vmem>>, vector<16xf32>,
      tpu.vector_store %arg15[%swap3A_978], %mul3A_977 {strides = array<i32>} : memref<208xf32, #tpu.memory_space<vmem>>, vector<16xf32>,
      %get3A_980 = arith.constant 192 : index
      %get3A_981 = tpu.vector_load %arg12[%get3A_980] {strides = array<i32>} : memref<208xf32, #tpu.memory_space<vmem>>, vector<16xf32>,
      %mul3A_982 = arith.mulf %get3A_981, %div3A_706 : vector<16xf32>
      %swap3A_983 = arith.constant 192 : index
      %swap3A_984 = tpu.vector_load %arg12[%swap3A_983] {strides = array<i32>} : memref<208xf32, #tpu.memory_space<vmem>>, vector<16xf32>,
      tpu.vector_store %arg12[%swap3A_983], %mul3A_982 {strides = array<i32>} : memref<208xf32, #tpu.memory_space<vmem>>, vector<16xf32>,
      %get3A_985 = arith.constant 192 : index
      %get3A_986 = tpu.vector_load %arg13[%get3A_985] {strides = array<i32>} : memref<208xf32, #tpu.memory_space<vmem>>, vector<16xf32>,
      %mul3A_987 = arith.mulf %get3A_986, %div3A_717 : vector<16xf32>
      %swap3A_988 = arith.constant 192 : index
      %swap3A_989 = tpu.vector_load %arg13[%swap3A_988] {strides = array<i32>} : memref<208xf32, #tpu.memory_space<vmem>>, vector<16xf32>,
      tpu.vector_store %arg13[%swap3A_988], %mul3A_987 {strides = array<i32>} : memref<208xf32, #tpu.memory_space<vmem>>, vector<16xf32>,
      %get3A_990 = arith.constant 192 : index
      %get3A_991 = tpu.vector_load %arg14[%get3A_990] {strides = array<i32>} : memref<208xf32, #tpu.memory_space<vmem>>, vector<16xf32>,
      %mul3A_992 = arith.mulf %get3A_991, %div3A_728 : vector<16xf32>
      %swap3A_993 = arith.constant 192 : index
      %swap3A_994 = tpu.vector_load %arg14[%swap3A_993] {strides = array<i32>} : memref<208xf32, #tpu.memory_space<vmem>>, vector<16xf32>,
      tpu.vector_store %arg14[%swap3A_993], %mul3A_992 {strides = array<i32>} : memref<208xf32, #tpu.memory_space<vmem>>, vector<16xf32>,
      %get3A_995 = arith.constant 192 : index
      %get3A_996 = tpu.vector_load %arg15[%get3A_995] {strides = array<i32>} : memref<208xf32, #tpu.memory_space<vmem>>, vector<16xf32>,
      %mul3A_997 = arith.mulf %get3A_996, %div3A_739 : vector<16xf32>
      %swap3A_998 = arith.constant 192 : index
      %swap3A_999 = tpu.vector_load %arg15[%swap3A_998] {strides = array<i32>} : memref<208xf32, #tpu.memory_space<vmem>>, vector<16xf32>,
      tpu.vector_store %arg15[%swap3A_998], %mul3A_997 {strides = array<i32>} : memref<208xf32, #tpu.memory_space<vmem>>, vector<16xf32>,
      %mul3A_1000 = arith.constant 200 : i32
      %mul3A_1001 = arith.muli %add3A_18, %mul3A_1000 : i32
      "tpu.region"() ({
        %run_scoped3A = tpu.sem_alloc : memref<!tpu.dma_semaphore, #tpu.memory_space<semaphore_mem>>
        %dma_start3A = arith.constant 0 : i32
        %dma_start3A_1009 = tpu.memref_slice %arg12[%dma_start3A] : memref<208xf32, #tpu.memory_space<vmem>> -> memref<200xf32, #tpu.memory_space<vmem>>
        %dma_start3A_1010 = tpu.memref_slice %arg5[%mul3A_1001] : memref<204800xf32, #tpu.memory_space<hbm>> -> memref<200xf32, #tpu.memory_space<hbm>>
        %dma_start3A_1011 = tpu.memref_slice %arg5[%mul3A_1001] : memref<204800xf32, #tpu.memory_space<hbm>> -> memref<200xf32, #tpu.memory_space<hbm>>
        %dma_start3A_1012 = arith.constant 0 : i32
        %dma_start3A_1013 = tpu.memref_slice %arg12[%dma_start3A_1012] : memref<208xf32, #tpu.memory_space<vmem>> -> memref<200xf32, #tpu.memory_space<vmem>>
        tpu.enqueue_dma source(%dma_start3A_1013 : memref<200xf32, #tpu.memory_space<vmem>>) target(%dma_start3A_1011 : memref<200xf32, #tpu.memory_space<hbm>>) target_semaphore(%run_scoped3A : memref<!tpu.dma_semaphore, #tpu.memory_space<semaphore_mem>>)
        %dma_wait3A = arith.constant 0 : i32
        %dma_wait3A_1014 = tpu.memref_slice %arg12[%dma_wait3A] : memref<208xf32, #tpu.memory_space<vmem>> -> memref<200xf32, #tpu.memory_space<vmem>>
        %dma_wait3A_1015 = tpu.memref_slice %arg5[%mul3A_1001] : memref<204800xf32, #tpu.memory_space<hbm>> -> memref<200xf32, #tpu.memory_space<hbm>>
        %dma_wait3A_1016 = tpu.memref_slice %arg5[%mul3A_1001] : memref<204800xf32, #tpu.memory_space<hbm>> -> memref<200xf32, #tpu.memory_space<hbm>>
        %dma_wait3A_1017 = arith.constant 0 : i32
        %dma_wait3A_1018 = tpu.memref_slice %arg12[%dma_wait3A_1017] : memref<208xf32, #tpu.memory_space<vmem>> -> memref<200xf32, #tpu.memory_space<vmem>>
        tpu.wait_dma2 semaphore(%run_scoped3A : memref<!tpu.dma_semaphore, #tpu.memory_space<semaphore_mem>>) src(%dma_wait3A_1018 : memref<200xf32, #tpu.memory_space<vmem>>) dst(%dma_wait3A_1016 : memref<200xf32, #tpu.memory_space<hbm>>)
        tpu.yield
      }) : () -> ()
      %mul3A_1002 = arith.constant 200 : i32
      %mul3A_1003 = arith.muli %add3A_18, %mul3A_1002 : i32
      "tpu.region"() ({
        %run_scoped3A = tpu.sem_alloc : memref<!tpu.dma_semaphore, #tpu.memory_space<semaphore_mem>>
        %dma_start3A = arith.constant 0 : i32
        %dma_start3A_1009 = tpu.memref_slice %arg13[%dma_start3A] : memref<208xf32, #tpu.memory_space<vmem>> -> memref<200xf32, #tpu.memory_space<vmem>>
        %dma_start3A_1010 = tpu.memref_slice %arg6[%mul3A_1003] : memref<204800xf32, #tpu.memory_space<hbm>> -> memref<200xf32, #tpu.memory_space<hbm>>
        %dma_start3A_1011 = tpu.memref_slice %arg6[%mul3A_1003] : memref<204800xf32, #tpu.memory_space<hbm>> -> memref<200xf32, #tpu.memory_space<hbm>>
        %dma_start3A_1012 = arith.constant 0 : i32
        %dma_start3A_1013 = tpu.memref_slice %arg13[%dma_start3A_1012] : memref<208xf32, #tpu.memory_space<vmem>> -> memref<200xf32, #tpu.memory_space<vmem>>
        tpu.enqueue_dma source(%dma_start3A_1013 : memref<200xf32, #tpu.memory_space<vmem>>) target(%dma_start3A_1011 : memref<200xf32, #tpu.memory_space<hbm>>) target_semaphore(%run_scoped3A : memref<!tpu.dma_semaphore, #tpu.memory_space<semaphore_mem>>)
        %dma_wait3A = arith.constant 0 : i32
        %dma_wait3A_1014 = tpu.memref_slice %arg13[%dma_wait3A] : memref<208xf32, #tpu.memory_space<vmem>> -> memref<200xf32, #tpu.memory_space<vmem>>
        %dma_wait3A_1015 = tpu.memref_slice %arg6[%mul3A_1003] : memref<204800xf32, #tpu.memory_space<hbm>> -> memref<200xf32, #tpu.memory_space<hbm>>
        %dma_wait3A_1016 = tpu.memref_slice %arg6[%mul3A_1003] : memref<204800xf32, #tpu.memory_space<hbm>> -> memref<200xf32, #tpu.memory_space<hbm>>
        %dma_wait3A_1017 = arith.constant 0 : i32
        %dma_wait3A_1018 = tpu.memref_slice %arg13[%dma_wait3A_1017] : memref<208xf32, #tpu.memory_space<vmem>> -> memref<200xf32, #tpu.memory_space<vmem>>
        tpu.wait_dma2 semaphore(%run_scoped3A : memref<!tpu.dma_semaphore, #tpu.memory_space<semaphore_mem>>) src(%dma_wait3A_1018 : memref<200xf32, #tpu.memory_space<vmem>>) dst(%dma_wait3A_1016 : memref<200xf32, #tpu.memory_space<hbm>>)
        tpu.yield
      }) : () -> ()
      %mul3A_1004 = arith.constant 200 : i32
      %mul3A_1005 = arith.muli %add3A_18, %mul3A_1004 : i32
      "tpu.region"() ({
        %run_scoped3A = tpu.sem_alloc : memref<!tpu.dma_semaphore, #tpu.memory_space<semaphore_mem>>
        %dma_start3A = arith.constant 0 : i32
        %dma_start3A_1009 = tpu.memref_slice %arg14[%dma_start3A] : memref<208xf32, #tpu.memory_space<vmem>> -> memref<200xf32, #tpu.memory_space<vmem>>
        %dma_start3A_1010 = tpu.memref_slice %arg7[%mul3A_1005] : memref<204800xf32, #tpu.memory_space<hbm>> -> memref<200xf32, #tpu.memory_space<hbm>>
        %dma_start3A_1011 = tpu.memref_slice %arg7[%mul3A_1005] : memref<204800xf32, #tpu.memory_space<hbm>> -> memref<200xf32, #tpu.memory_space<hbm>>
        %dma_start3A_1012 = arith.constant 0 : i32
        %dma_start3A_1013 = tpu.memref_slice %arg14[%dma_start3A_1012] : memref<208xf32, #tpu.memory_space<vmem>> -> memref<200xf32, #tpu.memory_space<vmem>>
        tpu.enqueue_dma source(%dma_start3A_1013 : memref<200xf32, #tpu.memory_space<vmem>>) target(%dma_start3A_1011 : memref<200xf32, #tpu.memory_space<hbm>>) target_semaphore(%run_scoped3A : memref<!tpu.dma_semaphore, #tpu.memory_space<semaphore_mem>>)
        %dma_wait3A = arith.constant 0 : i32
        %dma_wait3A_1014 = tpu.memref_slice %arg14[%dma_wait3A] : memref<208xf32, #tpu.memory_space<vmem>> -> memref<200xf32, #tpu.memory_space<vmem>>
        %dma_wait3A_1015 = tpu.memref_slice %arg7[%mul3A_1005] : memref<204800xf32, #tpu.memory_space<hbm>> -> memref<200xf32, #tpu.memory_space<hbm>>
        %dma_wait3A_1016 = tpu.memref_slice %arg7[%mul3A_1005] : memref<204800xf32, #tpu.memory_space<hbm>> -> memref<200xf32, #tpu.memory_space<hbm>>
        %dma_wait3A_1017 = arith.constant 0 : i32
        %dma_wait3A_1018 = tpu.memref_slice %arg14[%dma_wait3A_1017] : memref<208xf32, #tpu.memory_space<vmem>> -> memref<200xf32, #tpu.memory_space<vmem>>
        tpu.wait_dma2 semaphore(%run_scoped3A : memref<!tpu.dma_semaphore, #tpu.memory_space<semaphore_mem>>) src(%dma_wait3A_1018 : memref<200xf32, #tpu.memory_space<vmem>>) dst(%dma_wait3A_1016 : memref<200xf32, #tpu.memory_space<hbm>>)
        tpu.yield
      }) : () -> ()
      %mul3A_1006 = arith.constant 200 : i32
      %mul3A_1007 = arith.muli %add3A_18, %mul3A_1006 : i32
      "tpu.region"() ({
        %run_scoped3A = tpu.sem_alloc : memref<!tpu.dma_semaphore, #tpu.memory_space<semaphore_mem>>
        %dma_start3A = arith.constant 0 : i32
        %dma_start3A_1009 = tpu.memref_slice %arg15[%dma_start3A] : memref<208xf32, #tpu.memory_space<vmem>> -> memref<200xf32, #tpu.memory_space<vmem>>
        %dma_start3A_1010 = tpu.memref_slice %arg8[%mul3A_1007] : memref<204800xf32, #tpu.memory_space<hbm>> -> memref<200xf32, #tpu.memory_space<hbm>>
        %dma_start3A_1011 = tpu.memref_slice %arg8[%mul3A_1007] : memref<204800xf32, #tpu.memory_space<hbm>> -> memref<200xf32, #tpu.memory_space<hbm>>
        %dma_start3A_1012 = arith.constant 0 : i32
        %dma_start3A_1013 = tpu.memref_slice %arg15[%dma_start3A_1012] : memref<208xf32, #tpu.memory_space<vmem>> -> memref<200xf32, #tpu.memory_space<vmem>>
        tpu.enqueue_dma source(%dma_start3A_1013 : memref<200xf32, #tpu.memory_space<vmem>>) target(%dma_start3A_1011 : memref<200xf32, #tpu.memory_space<hbm>>) target_semaphore(%run_scoped3A : memref<!tpu.dma_semaphore, #tpu.memory_space<semaphore_mem>>)
        %dma_wait3A = arith.constant 0 : i32
        %dma_wait3A_1014 = tpu.memref_slice %arg15[%dma_wait3A] : memref<208xf32, #tpu.memory_space<vmem>> -> memref<200xf32, #tpu.memory_space<vmem>>
        %dma_wait3A_1015 = tpu.memref_slice %arg8[%mul3A_1007] : memref<204800xf32, #tpu.memory_space<hbm>> -> memref<200xf32, #tpu.memory_space<hbm>>
        %dma_wait3A_1016 = tpu.memref_slice %arg8[%mul3A_1007] : memref<204800xf32, #tpu.memory_space<hbm>> -> memref<200xf32, #tpu.memory_space<hbm>>
        %dma_wait3A_1017 = arith.constant 0 : i32
        %dma_wait3A_1018 = tpu.memref_slice %arg15[%dma_wait3A_1017] : memref<208xf32, #tpu.memory_space<vmem>> -> memref<200xf32, #tpu.memory_space<vmem>>
        tpu.wait_dma2 semaphore(%run_scoped3A : memref<!tpu.dma_semaphore, #tpu.memory_space<semaphore_mem>>) src(%dma_wait3A_1018 : memref<200xf32, #tpu.memory_space<vmem>>) dst(%dma_wait3A_1016 : memref<200xf32, #tpu.memory_space<hbm>>)
        tpu.yield
      }) : () -> ()
      %scan3A_1008 = arith.constant 0 : i32
      scf.yield %scan3A_1008 : i32
    }
    %scan3A_13 = arith.constant 32 : i32
    return
  }
}

module attributes {stable_mosaic.version = 14 : i64} {
  func.func @_feat_body(%arg0: i32, %arg1: memref<40x128xf32, #tpu.memory_space<vmem>>, %arg2: memref<40x128xf32, #tpu.memory_space<vmem>>, %arg3: memref<40x128xf32, #tpu.memory_space<vmem>>, %arg4: memref<40x128xf32, #tpu.memory_space<vmem>>, %arg5: memref<8x64xf32, #tpu.memory_space<vmem>>, %arg6: memref<40x128x64xf32, #tpu.memory_space<vmem>>, %arg7: memref<40x128x64xf32, #tpu.memory_space<vmem>>) attributes {dimension_semantics = [#tpu.dimension_semantics<arbitrary>], iteration_bounds = array<i64: 40>, scalar_prefetch = 0 : i64, scratch_operands = 0 : i64, tpu.core_type = #tpu.core_type<tc>, window_params = [{transform_indices = @transform_0, window_bounds = array<i64: 40, 128>}, {transform_indices = @transform_1, window_bounds = array<i64: 40, 128>}, {transform_indices = @transform_2, window_bounds = array<i64: 40, 128>}, {transform_indices = @transform_3, window_bounds = array<i64: 40, 128>}, {pipeline_mode = #tpu.pipeline_mode<synchronous>, transform_indices = @transform_4, window_bounds = array<i64: 8, 64>}, {transform_indices = @transform_5, window_bounds = array<i64: 40, 128, 64>}, {transform_indices = @transform_6, window_bounds = array<i64: 40, 128, 64>}]} {
    %iota3A = tpu.iota {dimensions = array<i32: 1>} : vector<1x64xi32>
    %convert_element_type3A = arith.sitofp %iota3A : vector<1x64xi32> to vector<1x64xf32>
    %add3A = arith.constant 1.000000e+00 : f32
    %add3A_0 = vector.broadcast %add3A : f32 to vector<1x64xf32>
    %add3A_1 = arith.addf %convert_element_type3A, %add3A_0 : vector<1x64xf32>
    %get3A = arith.constant 0 : index
    %get3A_2 = arith.constant 0 : index
    %get3A_3 = vector.load %arg5[%get3A, %get3A_2] : memref<8x64xf32, #tpu.memory_space<vmem>>, vector<1x64xf32>
    %mul3A = arith.mulf %get3A_3, %add3A_1 : vector<1x64xf32>
    %reshape3A = vector.shape_cast %mul3A : vector<1x64xf32> to vector<1x1x64xf32>
    %get3A_4 = arith.constant 0 : index
    %get3A_5 = arith.constant 0 : index
    %get3A_6 = vector.load %arg1[%get3A_4, %get3A_5] : memref<40x128xf32, #tpu.memory_space<vmem>>, vector<40x128xf32>
    %get3A_7 = arith.constant 0 : index
    %get3A_8 = arith.constant 0 : index
    %get3A_9 = vector.load %arg2[%get3A_7, %get3A_8] : memref<40x128xf32, #tpu.memory_space<vmem>>, vector<40x128xf32>
    %broadcast_in_dim3A = vector.shape_cast %get3A_6 : vector<40x128xf32> to vector<40x128x1xf32>
    %mul3A_10 = vector.broadcast %broadcast_in_dim3A : vector<40x128x1xf32> to vector<40x128x64xf32>
    %mul3A_11 = vector.broadcast %reshape3A : vector<1x1x64xf32> to vector<40x128x64xf32>
    %mul3A_12 = arith.mulf %mul3A_10, %mul3A_11 : vector<40x128x64xf32>
    %broadcast_in_dim3A_13 = vector.shape_cast %get3A_9 : vector<40x128xf32> to vector<40x128x1xf32>
    %mul3A_14 = vector.broadcast %broadcast_in_dim3A_13 : vector<40x128x1xf32> to vector<40x128x64xf32>
    %mul3A_15 = vector.broadcast %reshape3A : vector<1x1x64xf32> to vector<40x128x64xf32>
    %mul3A_16 = arith.mulf %mul3A_14, %mul3A_15 : vector<40x128x64xf32>
    %concatenate3A = tpu.concatenate %mul3A_12, %mul3A_16 in 2 : vector<40x128x64xf32>, vector<40x128x64xf32> -> vector<40x128x128xf32>
    %round3A = math.roundeven %concatenate3A : vector<40x128x128xf32>
    %sub3A = arith.subf %concatenate3A, %round3A : vector<40x128x128xf32>
    %mul3A_17 = arith.mulf %sub3A, %sub3A : vector<40x128x128xf32>
    %broadcast_in_dim3A_18 = arith.constant 45.6209869 : f32
    %broadcast_in_dim3A_19 = vector.broadcast %broadcast_in_dim3A_18 : f32 to vector<40x128x128xf32>
    %mul3A_20 = arith.mulf %broadcast_in_dim3A_19, %mul3A_17 : vector<40x128x128xf32>
    %add3A_21 = arith.constant -82.3907775 : f32
    %add3A_22 = vector.broadcast %add3A_21 : f32 to vector<40x128x128xf32>
    %add3A_23 = arith.addf %mul3A_20, %add3A_22 : vector<40x128x128xf32>
    %mul3A_24 = arith.mulf %add3A_23, %mul3A_17 : vector<40x128x128xf32>
    %add3A_25 = arith.constant 64.6714401 : f32
    %add3A_26 = vector.broadcast %add3A_25 : f32 to vector<40x128x128xf32>
    %add3A_27 = arith.addf %mul3A_24, %add3A_26 : vector<40x128x128xf32>
    %mul3A_28 = arith.mulf %add3A_27, %mul3A_17 : vector<40x128x128xf32>
    %add3A_29 = arith.constant -19.7309418 : f32
    %add3A_30 = vector.broadcast %add3A_29 : f32 to vector<40x128x128xf32>
    %add3A_31 = arith.addf %mul3A_28, %add3A_30 : vector<40x128x128xf32>
    %mul3A_32 = arith.mulf %add3A_31, %mul3A_17 : vector<40x128x128xf32>
    %add3A_33 = arith.constant 0.999958992 : f32
    %add3A_34 = vector.broadcast %add3A_33 : f32 to vector<40x128x128xf32>
    %add3A_35 = arith.addf %mul3A_32, %add3A_34 : vector<40x128x128xf32>
    %slice3A = vector.extract_strided_slice %add3A_35 {offsets = [0, 0, 0], sizes = [40, 128, 64], strides = [1, 1, 1]} : vector<40x128x128xf32> to vector<40x128x64xf32>
    %slice3A_36 = vector.extract_strided_slice %add3A_35 {offsets = [0, 0, 64], sizes = [40, 128, 64], strides = [1, 1, 1]} : vector<40x128x128xf32> to vector<40x128x64xf32>
    %add3A_37 = arith.addf %slice3A, %slice3A_36 : vector<40x128x64xf32>
    %swap3A = arith.constant 0 : index
    %swap3A_38 = arith.constant 0 : index
    %swap3A_39 = arith.constant 0 : index
    %swap3A_40 = vector.load %arg6[%swap3A, %swap3A_38, %swap3A_39] : memref<40x128x64xf32, #tpu.memory_space<vmem>>, vector<40x128x64xf32>
    tpu.vector_store %arg6[%swap3A, %swap3A_38, %swap3A_39], %add3A_37 {strides = array<i32>} : memref<40x128x64xf32, #tpu.memory_space<vmem>>, vector<40x128x64xf32>,
    %get3A_41 = arith.constant 0 : index
    %get3A_42 = arith.constant 0 : index
    %get3A_43 = vector.load %arg3[%get3A_41, %get3A_42] : memref<40x128xf32, #tpu.memory_space<vmem>>, vector<40x128xf32>
    %get3A_44 = arith.constant 0 : index
    %get3A_45 = arith.constant 0 : index
    %get3A_46 = vector.load %arg4[%get3A_44, %get3A_45] : memref<40x128xf32, #tpu.memory_space<vmem>>, vector<40x128xf32>
    %broadcast_in_dim3A_47 = vector.shape_cast %get3A_43 : vector<40x128xf32> to vector<40x128x1xf32>
    %mul3A_48 = vector.broadcast %broadcast_in_dim3A_47 : vector<40x128x1xf32> to vector<40x128x64xf32>
    %mul3A_49 = vector.broadcast %reshape3A : vector<1x1x64xf32> to vector<40x128x64xf32>
    %mul3A_50 = arith.mulf %mul3A_48, %mul3A_49 : vector<40x128x64xf32>
    %broadcast_in_dim3A_51 = vector.shape_cast %get3A_46 : vector<40x128xf32> to vector<40x128x1xf32>
    %mul3A_52 = vector.broadcast %broadcast_in_dim3A_51 : vector<40x128x1xf32> to vector<40x128x64xf32>
    %mul3A_53 = vector.broadcast %reshape3A : vector<1x1x64xf32> to vector<40x128x64xf32>
    %mul3A_54 = arith.mulf %mul3A_52, %mul3A_53 : vector<40x128x64xf32>
    %concatenate3A_55 = tpu.concatenate %mul3A_50, %mul3A_54 in 2 : vector<40x128x64xf32>, vector<40x128x64xf32> -> vector<40x128x128xf32>
    %round3A_56 = math.roundeven %concatenate3A_55 : vector<40x128x128xf32>
    %sub3A_57 = arith.subf %concatenate3A_55, %round3A_56 : vector<40x128x128xf32>
    %mul3A_58 = arith.mulf %sub3A_57, %sub3A_57 : vector<40x128x128xf32>
    %broadcast_in_dim3A_59 = arith.constant 45.6209869 : f32
    %broadcast_in_dim3A_60 = vector.broadcast %broadcast_in_dim3A_59 : f32 to vector<40x128x128xf32>
    %mul3A_61 = arith.mulf %broadcast_in_dim3A_60, %mul3A_58 : vector<40x128x128xf32>
    %add3A_62 = arith.constant -82.3907775 : f32
    %add3A_63 = vector.broadcast %add3A_62 : f32 to vector<40x128x128xf32>
    %add3A_64 = arith.addf %mul3A_61, %add3A_63 : vector<40x128x128xf32>
    %mul3A_65 = arith.mulf %add3A_64, %mul3A_58 : vector<40x128x128xf32>
    %add3A_66 = arith.constant 64.6714401 : f32
    %add3A_67 = vector.broadcast %add3A_66 : f32 to vector<40x128x128xf32>
    %add3A_68 = arith.addf %mul3A_65, %add3A_67 : vector<40x128x128xf32>
    %mul3A_69 = arith.mulf %add3A_68, %mul3A_58 : vector<40x128x128xf32>
    %add3A_70 = arith.constant -19.7309418 : f32
    %add3A_71 = vector.broadcast %add3A_70 : f32 to vector<40x128x128xf32>
    %add3A_72 = arith.addf %mul3A_69, %add3A_71 : vector<40x128x128xf32>
    %mul3A_73 = arith.mulf %add3A_72, %mul3A_58 : vector<40x128x128xf32>
    %add3A_74 = arith.constant 0.999958992 : f32
    %add3A_75 = vector.broadcast %add3A_74 : f32 to vector<40x128x128xf32>
    %add3A_76 = arith.addf %mul3A_73, %add3A_75 : vector<40x128x128xf32>
    %slice3A_77 = vector.extract_strided_slice %add3A_76 {offsets = [0, 0, 0], sizes = [40, 128, 64], strides = [1, 1, 1]} : vector<40x128x128xf32> to vector<40x128x64xf32>
    %slice3A_78 = vector.extract_strided_slice %add3A_76 {offsets = [0, 0, 64], sizes = [40, 128, 64], strides = [1, 1, 1]} : vector<40x128x128xf32> to vector<40x128x64xf32>
    %add3A_79 = arith.addf %slice3A_77, %slice3A_78 : vector<40x128x64xf32>
    %swap3A_80 = arith.constant 0 : index
    %swap3A_81 = arith.constant 0 : index
    %swap3A_82 = arith.constant 0 : index
    %swap3A_83 = vector.load %arg7[%swap3A_80, %swap3A_81, %swap3A_82] : memref<40x128x64xf32, #tpu.memory_space<vmem>>, vector<40x128x64xf32>
    tpu.vector_store %arg7[%swap3A_80, %swap3A_81, %swap3A_82], %add3A_79 {strides = array<i32>} : memref<40x128x64xf32, #tpu.memory_space<vmem>>, vector<40x128x64xf32>,
    return
  }
  func.func @transform_0(%arg0: i32) -> (i32, i32) {
    %c0_i32 = arith.constant 0 : i32
    %c0_i32_0 = arith.constant 0 : i32
    return %arg0, %c0_i32 : i32, i32
  }
  func.func @transform_1(%arg0: i32) -> (i32, i32) {
    %c0_i32 = arith.constant 0 : i32
    %c0_i32_0 = arith.constant 0 : i32
    return %arg0, %c0_i32 : i32, i32
  }
  func.func @transform_2(%arg0: i32) -> (i32, i32) {
    %c0_i32 = arith.constant 0 : i32
    %c0_i32_0 = arith.constant 0 : i32
    return %arg0, %c0_i32 : i32, i32
  }
  func.func @transform_3(%arg0: i32) -> (i32, i32) {
    %c0_i32 = arith.constant 0 : i32
    %c0_i32_0 = arith.constant 0 : i32
    return %arg0, %c0_i32 : i32, i32
  }
  func.func @transform_4(%arg0: i32) -> (i32, i32) {
    %c0_i32 = arith.constant 0 : i32
    %c0_i32_0 = arith.constant 0 : i32
    %c0_i32_1 = arith.constant 0 : i32
    return %c0_i32, %c0_i32_0 : i32, i32
  }
  func.func @transform_5(%arg0: i32) -> (i32, i32, i32) {
    %c0_i32 = arith.constant 0 : i32
    %c0_i32_0 = arith.constant 0 : i32
    %c0_i32_1 = arith.constant 0 : i32
    return %arg0, %c0_i32, %c0_i32_0 : i32, i32, i32
  }
  func.func @transform_6(%arg0: i32) -> (i32, i32, i32) {
    %c0_i32 = arith.constant 0 : i32
    %c0_i32_0 = arith.constant 0 : i32
    %c0_i32_1 = arith.constant 0 : i32
    return %arg0, %c0_i32, %c0_i32_0 : i32, i32, i32
  }
}

</mosaic_0001>

<sc_bundles>
// kernel: kernel.4.cloned.1.call-start
scs
__scs_entry_jumppad:
0x0: {  	(pc) =	sbr.rel $0x88, $3  }
0x1: {  	(tag) =	ssettag $0x0;
	lr =	simm.s32 $0x1  }
0x2: {  	[smem:$0x3F9E] =	sst lr;
	_ =	strace $0xD0000000  }
0x3: {  	_ = 	snop  }
0x4: {  	_ = 	snop  }
0x5: {  	_ = 	snop  }
0x6: {  	_ = 	snop  }
0x7: {  	_ = 	snop  }
__scs_overlays_trampoline_lowered:
0x8: {  	[smem:$0x3FAD] =	sst s0  }
0x9: {  	[smem:$0x3FAE] =	sst s1  }
0xa: {  	[smem:$0x3FAF] =	sst s2  }
0xb: {  	[smem:$0x3FB0] =	sst s3  }
0xc: {  	[smem:$0x3FB1] =	sst s4  }
0xd: {  	[smem:$0x3FB2] =	sst s5  }
0xe: {  	[smem:$0x3FB3] =	sst s6  }
0xf: {  	[smem:$0x3FB4] =	sst s7  }
0x10: {  	[smem:$0x3FB5] =	sst s8  }
0x11: {  	[smem:$0x3FB6] =	sst s9;
	s0 =	simm.s32 @!p0 $0x0  }
0x12: {  	s1 =	sld [smem:$0x3F9C];
	s0 =	simm.s32 @p0 $0x1  }
0x13: {  	[smem:$0x3FB7] =	sst s0;
	s0 =	simm.s32 @!p1 $0x0  }
0x14: {  	s2 =	sld [smem:$0x3F9B];
	s0 =	simm.s32 @p1 $0x1  }
0x15: {  	[smem:$0x3FB8] =	sst s0;
	s0 =	simm.s32 @!p2 $0x0  }
0x16: {  	s3 =	sld [smem:$0x3FDB];
	s0 =	simm.s32 @p2 $0x1  }
0x17: {  	s4 =	simm.s32 $0x1BF5;
	[smem:$0x3FBA] =	sst s0  }
0x18: {  	s0 =	sld [smem:$0x3F9D];
	_ =	swait.ge [sflag:s4], $0x0  }
0x19: {  	s7 =	sld [smem:$0x3F9E]  }
0x1a: {  	s8 =	sadd.s32 $0xFFFFE003, lr  }
0x1b: {  	s9 =	sadd.s32 $0xFFFFFEF7, lr;
	s5 =	simm.s32 $0xFFFFFFFF;
	p2 =	slt.u32 s8, $0xFFFFF086  }
0x1c: {  	p1 =	slt.u32 s9, $0xF7A;
	s5 =	simm.s32 @!p2 $0x0  }
0x1d: {  	s5 =	simm.s32 @p1 $0x1;
	p0 =	seq.s32 s7, s2  }
0x1e: {  	s7 =	smul.u32 @!p0 $0xF7A, s2;
	p2 =	seq.s32 @!p0 s5, $0x0  }
0x1f: {  	s9 =	smul.u32 $0xF7A, s1;
	s8 =	simm.s32 @!p0 $0x1BF5;
	p2 =	por !p2, p0  }
0x20: {  	[sflag:s8] =	ssyncset.s32 @!p0 $0xFFFFF086;
	s6 =	sadd.s32 @!p0 s3, s7;
	s7 =	simm.s32 @!p0 $0x108  }
0x21: {  	s3 =	sadd.s32 s3, s9;
	s6 =	sadd.s32 @!p0 $0x88, s6;
	s7 =	simm.s32 @p2 $0x1082  }
0x22: {  	[simem:s7], [sflag:s8] =	dma.local @!p0 [hbm:s6], $0xF7A  }
0x23: {  	s9 =	sor.u32 $0xD0000000, s2;
	s6 =	simm.s32 $0x108;
	_ =	swait.ge @!p0 [sflag:s8], $0x0  }
0x24: {  	s3 =	sadd.s32 $0x88, s3;
	s6 =	simm.s32 @!p1 $0x1082;
	[sflag:s4] =	ssyncset.s32 $0xFFFFF086  }
0x25: {  	[simem:s6], [sflag:s4] =	dma.local [hbm:s3], $0xF7A  }
0x26: {  	[smem:$0x3F9E] =	sst s1;
	(tag) =	ssettag s2;
	_ =	strace s9  }
0x27: {  	s1 =	sld [smem:$0x3FAE]  }
0x28: {  	s2 =	sld [smem:$0x3FAF]  }
0x29: {  	s4 =	sld [smem:$0x3FB1]  }
0x2a: {  	p0 =	seq.s32 s5, $0x0;
	s5 =	sld [smem:$0x3FB2]  }
0x2b: {  	s6 =	sld [smem:$0x3FB3]  }
0x2c: {  	s7 =	sld [smem:$0x3FB4]  }
0x2d: {  	s3 =	simm.s32 $0x108;
	s8 =	sld [smem:$0x3FB5]  }
0x2e: {  	s3 =	simm.s32 @!p0 $0x1082;
	s9 =	sld [smem:$0x3FB6]  }
0x2f: {  	lr =	sadd.s32 s0, s3;
	s0 =	sld [smem:$0x3FAD]  }
0x30: {  	s3 =	sld [smem:$0x3FB0]  }
0x31: {  	[smem:$0x3FB9] =	sst s10  }
0x32: {  	s10 =	sld [smem:$0x3FB7];
	_ =	sdelay $0x3  }
0x33: {  	p0 =	seq.s32 s10, $0x1;
	s10 =	sld [smem:$0x3FB9];
	_ =	sdelay $0x3  }
0x34: {  	[smem:$0x3FB9] =	sst s10  }
0x35: {  	s10 =	sld [smem:$0x3FB8];
	_ =	sdelay $0x3  }
0x36: {  	p1 =	seq.s32 s10, $0x1;
	s10 =	sld [smem:$0x3FB9];
	_ =	sdelay $0x3  }
0x37: {  	[smem:$0x3FB9] =	sst s10  }
0x38: {  	s10 =	sld [smem:$0x3FBA]  }
0x39: {  	_ = 	snop;
	(pc) =	sbr.ind lr, $3  }
0x3a: {  	_ = 	snop  }
0x3b: {  	_ = 	snop  }
0x3c: {  	p2 =	seq.s32 s10, $0x1;
	s10 =	sld [smem:$0x3FB9]  }
0x3d: {  	_ =	shalt  }
0x3e: {  	_ =	shalt  }
0x3f: {  	_ =	shalt  }
0x40: {  	_ =	shalt  }
0x41: {  	_ =	shalt  }
0x42: {  	_ =	shalt  }
0x43: {  	_ =	shalt  }
0x44: {  	_ =	shalt  }
0x45: {  	_ =	shalt  }
0x46: {  	_ =	shalt  }
0x47: {  	_ =	shalt  }
0x48: {  	_ =	shalt  }
0x49: {  	_ =	shalt  }
0x4a: {  	_ =	shalt  }
0x4b: {  	_ =	shalt  }
0x4c: {  	_ =	shalt  }
0x4d: {  	_ =	shalt  }
0x4e: {  	_ =	shalt  }
0x4f: {  	_ =	shalt  }
0x50: {  	_ =	shalt  }
0x51: {  	_ =	shalt  }
0x52: {  	_ =	shalt  }
0x53: {  	_ =	shalt  }
0x54: {  	_ =	shalt  }
0x55: {  	_ =	shalt  }
0x56: {  	_ =	shalt  }
0x57: {  	_ =	shalt  }
0x58: {  	_ =	shalt  }
0x59: {  	_ =	shalt  }
0x5a: {  	_ =	shalt  }
0x5b: {  	_ =	shalt  }
0x5c: {  	_ =	shalt  }
0x5d: {  	_ =	shalt  }
0x5e: {  	_ =	shalt  }
0x5f: {  	_ =	shalt  }
0x60: {  	_ =	shalt  }
0x61: {  	_ =	shalt  }
0x62: {  	_ =	shalt  }
0x63: {  	_ =	shalt  }
0x64: {  	_ =	shalt  }
0x65: {  	_ =	shalt  }
0x66: {  	_ =	shalt  }
0x67: {  	_ =	shalt  }
0x68: {  	_ =	shalt  }
0x69: {  	_ =	shalt  }
0x6a: {  	_ =	shalt  }
0x6b: {  	_ =	shalt  }
0x6c: {  	_ =	shalt  }
0x6d: {  	_ =	shalt  }
0x6e: {  	_ =	shalt  }
0x6f: {  	_ =	shalt  }
0x70: {  	_ =	shalt  }
0x71: {  	_ =	shalt  }
0x72: {  	_ =	shalt  }
0x73: {  	_ =	shalt  }
0x74: {  	_ =	shalt  }
0x75: {  	_ =	shalt  }
0x76: {  	_ =	shalt  }
0x77: {  	_ =	shalt  }
0x78: {  	_ =	shalt  }
0x79: {  	_ =	shalt  }
0x7a: {  	_ =	shalt  }
0x7b: {  	_ =	shalt  }
0x7c: {  	_ =	shalt  }
0x7d: {  	_ =	shalt  }
0x7e: {  	_ =	shalt  }
0x7f: {  	_ =	shalt  }
0x80: {  	_ =	shalt  }
0x81: {  	_ =	shalt  }
0x82: {  	_ =	shalt  }
0x83: {  	_ =	shalt  }
0x84: {  	_ =	shalt  }
0x85: {  	_ =	shalt  }
0x86: {  	_ =	shalt  }
0x87: {  	_ =	shalt  }
.Lfunc_end0:
.L_simem_size_0:
called_computation.2_lowered:
.L_overlay_start_0:
0x88: {  	s2 =	sld [smem:$0x3FD9]  }
0x89: {  	s3 =	sld [smem:$0x3FFE];
	_ =	sdelay $0x1  }
0x8a: {  	s1 =	srdreg.scid  }
0x8b: {  	s0 =	sand.u32 $0x1, s1  }
0x8c: {  	s14 =	sshll.u32 s0, $0xA;
	s2 =	sadd.s32 s3, s2  }
0x8d: {  	s2 =	sadd.s32 s2, s14  }
0x8e: {  	[smem:$0x3FC5] =	sst s2  }
0x8f: {  	_ = 	snop  }
0x90: {  	s2 =	sld [smem:$0x3FD0];
	_ =	sdelay $0x2  }
0x91: {  	s15 =	simm.s32 $0xB;
	s4 =	simm.s32 $0x10  }
0x92: {  	[smem:s4], [sflag:s15] =	dma.local [hbm:s2], $0x1  }
0x93: {  	_ =	swait.eq [sflag:s15], $0x1  }
0x94: {  	[sflag:s15] =	ssyncset.done $0x0  }
0x95: {  	s16 =	sld [smem:$0x10];
	[sflag:s15] =	ssyncadd.s32 $0xFFFFFFFF  }
0x96: {  	s17 =	sld [smem:$0x11];
	(tm) =	ssettm $0x1  }
0x97: {  	s18 =	sld [smem:$0x3FFB];
	_ =	sdelay $0x3  }
0x98: {  	_ =	strace s18  }
0x99: {  	s4 =	sld [smem:$0x3FFC];
	_ =	sdelay $0x3  }
0x9a: {  	_ =	strace s4  }
0x9b: {  	s4 =	sld [smem:$0x3FFD];
	_ =	sdelay $0x3  }
0x9c: {  	_ =	strace s4  }
0x9d: {  	_ =	strace $0x8FFFFFFF  }
0x9e: {  	s19 =	sld [smem:$0x3FDB];
	_ =	sdelay $0x1  }
0x9f: {  	s5 =	simm.s32 $_scs_section_size  }
0xa0: {  	s6 =	simm.s32 $_size__tile_overlayer_lowered;
	s7 =	simm.s32 $_tile_overlayer_lowered  }
0xa1: {  	s22 =	simm.s32 $0x1BFF;
	s21 =	sshll.u32 s7, $0x1;
	s4 =	sadd.s32 s5, s19  }
0xa2: {  	s8 =	simm.s32 $0x0;
	s20 =	sshll.u32 s6, $0x1;
	s6 =	sadd.s32 s21, s4  }
0xa3: {  	[timem:s8], [sflag:s22] =	dma.local [hbm:s6], s20  }
0xa4: {  	_ =	swait.ge [sflag:s22], s20  }
0xa5: {  	s5 =	ssub.s32 $0x0, s20;
	[sflag:s22] =	ssyncset.done $0x0  }
0xa6: {  	[sflag:s22] =	ssyncadd.s32 s5;
	_ =	sdelay $0x1  }
0xa7: {  	s23 =	simm.s32 $0x1B8B  }
0xa8: {  	_ =	swait.ge [sflag:s23], $0x1  }
0xa9: {  	[sflag:s23] =	ssyncset.done $0x0  }
0xaa: {  	s25 =	simm.s32 $0x1B8E;
	s24 =	sld [smem:$0x3FFE];
	[sflag:s23] =	ssyncadd.s32 $0xFFFFFFFF  }
0xab: {  	s26 =	simm.s32 $execute0_lowered;
	[smem:$0x3FD2] =	sst s25  }
0xac: {  	s6 =	sshll.u32 s26, $0x1;
	_ =	strace $0x80000046;
	[dreg:$0x1] =	wrdreg $0xFFFFFFFF  }
0xad: {  	s28 =	simm.s32 $_size_execute0_lowered;
	s4 =	sadd.s32 s4, s6;
	[dreg:$0x0] =	wrdreg $0x0  }
0xae: {  	s6 =	sshll.u32 s28, $0x1;
	[dreg:$0x2] =	wrdreg s4  }
0xaf: {  	[dreg:$0x3] =	wrdreg s6  }
0xb0: {  	[dreg:$0x4] =	wrdreg $0xC0  }
0xb1: {  	_ =	task [dreg:s8], $0x5FFFF  }
0xb2: {  	[dreg:$0x1] =	wrdreg $0xFFFFFFFF  }
0xb3: {  	[dreg:$0x0] =	wrdreg $0x60  }
0xb4: {  	[dreg:$0x2] =	wrdreg s17  }
0xb5: {  	[dreg:$0x3] =	wrdreg s16  }
0xb6: {  	[dreg:$0x4] =	wrdreg s24  }
0xb7: {  	[dreg:$0x5] =	wrdreg $0x9  }
0xb8: {  	_ =	task.clear_ibuf [dreg:s8], $0x6FFFF;
	_ =	strace $0x90000046  }
0xb9: {  	s29 =	simm.s32 $0x9;
	_ =	strace $0x80000048  }
0xba: {  	_ =	swait.ge [sflag:s29], $0x1  }
0xbb: {  	[sflag:s29] =	ssyncadd.s32 $0xFFFFFFFF  }
0xbc: {  	_ =	strace $0x90000048  }
0xbd: {  	_ =	sfence  }
0xbe: {  	s30 =	sld [smem:$0x0];
	_ =	sdelay $0x2  }
0xbf: {  	s31 =	sshll.u32 s1, $0xD;
	s1 =	sshrl.u32 s1, $0x2  }
0xc0: {  	s3 =	sand.u32 $0x4000, s31;
	s1 =	sadd.s32 s1, s30  }
0xc1: {  	s0 =	sor.u32 s3, s0;
	s1 =	sshll.u32 s1, $0x11  }
0xc2: {  	s0 =	sor.u32 s1, s0  }
0xc3: {  	s0 =	sadd.s32 $0x8F2B, s0  }
0xc4: {  	[sflag:s0] =	ssyncadd.remote.s32 $0x1  }
0xc5: {  	_ =	sfence.sel $0xFFFF  }
0xc6: {  	[dreg:$0x0] =	wrdreg $0xFFFFFFFF;
	(pc) =	sbr.abs _section_cstart, $3  }
0xc7: {  	[dreg:$0x1] =	wrdreg $0xFFFFFFFF  }
0xc8: {  	_ =	task.clear_ibuf [dreg:s8], $0x2FFFF;
	_ =	strace $0x9FFFFFFF  }
0xc9: {  	(tm) =	ssettm $0x7FFFFFFF  }
tec
execute0_lowered:
.L_overlay_start_1:
0x0: {  	(tag) =	ssettag $0x1  }
0x1: {  	s4 =	rddreg [dreg:$0x0]  }
0x2: {  	s5 =	rddreg [dreg:$0x1]  }
0x3: {  	s6 =	rddreg [dreg:$0x2];
	s2 =	srdreg.scid  }
0x4: {  	s0 =	rddreg [dreg:$0x3];
	s1 =	stileid.u32;
	s12 =	simm.s32 $0x186A0  }
0x5: {  	s13 =	simm.s32 $0x1A0A0;
	s14 =	simm.s32 $0x1BAA0;
	s15 =	simm.s32 $0x1BB70  }
0x6: {  	s16 =	simm.s32 $0x1BC40;
	s17 =	simm.s32 $0x1BD10;
	s18 =	simm.s32 $0x0  }
0x7: {  	s7 =	sand.u32 $0x1, s2;
	s2 =	simm.s32 $0x0;
	s3 =	sshll.u32 s1, $0x6  }
0x8: {  	s9 =	smul.u32 $0x640, s1;
	s8 =	sshll.u32 s7, $0x5;
	[smem:$0x7FF] =	sst s2  }
0x9: {  	s29 =	ssub.s32 $0x2, s7;
	s7 =	smul.u32 $0x320, s7;
	s3 =	sor.u32 s8, s3  }
0xa: {  	_ =	strace $0x80000047;
	s11 =	sshrl.u32 s29, $0x1;
	s9 =	sadd.s32 s9, s6  }
0xb: {  	s10 =	smul.u32 $0x1A, s3;
	s3 =	sadd.s32 $0x1A00, s6;
	s30 =	ssub.s32 s29, s11  }
0xc: {  	vm0 =	vmmov $0xff;
	v0 =	vimm.s32 $0x0;
	s31 =	sadd.s32 s7, s9;
	s11 =	simm.s32 $0x1;
	s6 =	smax.u32 s30, $0x1  }
0xd: {  	v0 =	vsel vm0, $0xFFFFFFFF, v0;
	s7 =	sadd.s32 $0x17800, s31;
	s8 =	sadd.s32 $0x11400, s31;
	s9 =	sadd.s32 $0xB000, s31  }
0xe: {  	vm1 =	vcmask $0x3F04;
	v1 =	vimm.f32 $0.0e+00;
	[tilespmem:$0x1FFF0] =	vst v0;
	v0 =	vimm.f32 $1.000000000e+00;
	s4 =	sadd.s32 s4, s10;
	s5 =	sadd.s32 s5, s10;
	s10 =	sadd.s32 $0x4C00, s31  }
.LBB2_1:
0xf: {  	[tilespmem:s2], [sflag:$0x1] =	stream.linear.gather [hbm4b:s3+s2], $0x186A0, $0x38;
	[tilespmem:$0x1BDE0] =	vst v63  }
0x10: {  	_ =	swait.ge [sflag:s11], $0x186A0  }
0x11: {  	[sflag:s11] =	ssyncset.done $0x0  }
0x12: {  	[sflag:s11] =	ssyncadd.s32 $0xFFFE7960  }
0x13: {  	[tilespmem:s12], [sflag:$0x1] =	stream.linear.gather [hbm4b:s4+s2], $0x1A00, $0x38;
	[tilespmem:$0x1BDE0] =	vst v63  }
0x14: {  	_ =	swait.ge [sflag:s11], $0x1A00  }
0x15: {  	[sflag:s11] =	ssyncset.done $0x0  }
0x16: {  	[sflag:s11] =	ssyncadd.s32 $0xFFFFE600  }
0x17: {  	[tilespmem:s13], [sflag:$0x1] =	stream.linear.gather [hbm4b:s5+s2], $0x1A00, $0x38;
	[tilespmem:$0x1BDE0] =	vst v63  }
0x18: {  	_ =	swait.ge [sflag:s11], $0x1A00  }
0x19: {  	s19 =	simm.s32 $0x18700;
	[sflag:s11] =	ssyncset.done $0x0  }
0x1a: {  	s20 =	simm.s32 $0x1A100;
	s21 =	simm.s32 $0x0;
	[sflag:s11] =	ssyncadd.s32 $0xFFFFE600  }
.LBB2_2:
0x1b: {  	v38 =	vld [tilespmem:s19+$0xFFFFFFA0]  }
0x1c: {  	v33 =	vld [tilespmem:s19+$0xFFFFFFB0]  }
0x1d: {  	v28 =	vld [tilespmem:s19+$0xFFFFFFC0]  }
0x1e: {  	v25 =	vld [tilespmem:s19+$0xFFFFFFD0]  }
0x1f: {  	v23 =	vld [tilespmem:s19+$0xFFFFFFE0]  }
0x20: {  	v22 =	vld [tilespmem:s19+$0xFFFFFFF0]  }
0x21: {  	v21 =	vld [tilespmem:s19+$0x0]  }
0x22: {  	v20 =	vld [tilespmem:s19+$0x10]  }
0x23: {  	v19 =	vld [tilespmem:s19+$0x20]  }
0x24: {  	v18 =	vld [tilespmem:s19+$0x30]  }
0x25: {  	v17 =	vld [tilespmem:s19+$0x40]  }
0x26: {  	v16 =	vld [tilespmem:s19+$0x50]  }
0x27: {  	v15 =	vld [tilespmem:s19+$0x60]  }
0x28: {  	v12 =	vld [tilespmem:s20+$0xFFFFFFA0]  }
0x29: {  	v13 =	vld [tilespmem:s20+$0xFFFFFFB0]  }
0x2a: {  	v14 =	vld [tilespmem:s20+$0xFFFFFFC0]  }
0x2b: {  	v11 =	vld [tilespmem:s20+$0xFFFFFFD0]  }
0x2c: {  	v10 =	vld [tilespmem:s20+$0xFFFFFFE0]  }
0x2d: {  	v9 =	vld [tilespmem:s20+$0xFFFFFFF0]  }
0x2e: {  	v8 =	vld [tilespmem:s20+$0x0]  }
0x2f: {  	v7 =	vld [tilespmem:s20+$0x10]  }
0x30: {  	v6 =	vld [tilespmem:s20+$0x20]  }
0x31: {  	v5 =	vld [tilespmem:s20+$0x30]  }
0x32: {  	v4 =	vld [tilespmem:s20+$0x40]  }
0x33: {  	v3 =	vld [tilespmem:s20+$0x50]  }
0x34: {  	v2 =	vld [tilespmem:s20+$0x60]  }
0x35: {  	[tilespmem:v38+s2+$0x0] =	vst.idx.add.f32.msk $0xffff, v0  }
0x36: {  	[tilespmem:v33+s2+$0x0] =	vst.idx.add.f32.msk $0xffff, v0  }
0x37: {  	[tilespmem:v28+s2+$0x0] =	vst.idx.add.f32.msk $0xffff, v0  }
0x38: {  	[tilespmem:v25+s2+$0x0] =	vst.idx.add.f32.msk $0xffff, v0  }
0x39: {  	[tilespmem:v23+s2+$0x0] =	vst.idx.add.f32.msk $0xffff, v0  }
0x3a: {  	[tilespmem:v22+s2+$0x0] =	vst.idx.add.f32.msk $0xffff, v0  }
0x3b: {  	[tilespmem:v21+s2+$0x0] =	vst.idx.add.f32.msk $0xffff, v0  }
0x3c: {  	[tilespmem:v20+s2+$0x0] =	vst.idx.add.f32.msk $0xffff, v0  }
0x3d: {  	[tilespmem:v19+s2+$0x0] =	vst.idx.add.f32.msk $0xffff, v0  }
0x3e: {  	[tilespmem:v18+s2+$0x0] =	vst.idx.add.f32.msk $0xffff, v0  }
0x3f: {  	[tilespmem:v17+s2+$0x0] =	vst.idx.add.f32.msk $0xffff, v0  }
0x40: {  	[tilespmem:v16+s2+$0x0] =	vst.idx.add.f32.msk $0xffff, v0  }
0x41: {  	[tilespmem:v15+s2+$0x0] =	vst.idx.add.f32.msk $0xffff, v0  }
0x42: {  	v24 =	vld.idx.msk [tilespmem:v38+s2+$0x0], $0xffff  }
0x43: {  	vm0 =	vne.s32 v38, $0x0;
	v26 =	vld.idx.msk [tilespmem:v12+s2+$0x0], $0xffff  }
0x44: {  	v27 =	vimm.s32 $0x0;
	vm2 =	vmand vm0, vm1;
	vm0 =	vne.s32 v12, $0x0  }
0x45: {  	v41 =	vimm.s32 $0x0;
	v27 =	vsel vm2, $0xFFFFFFFF, v27;
	vm0 =	vmand vm0, vm1  }
0x46: {  	[tilespmem:$0x1FF40] =	vst v27;
	v27 =	vsel vm0, $0xFFFFFFFF, v41  }
0x47: {  	[tilespmem:$0x1FF50] =	vst v27;
	v27 =	vnsel vm2, $0x0, v24  }
0x48: {  	v24 =	vnsel vm0, $0x0, v26;
	[tilespmem:$0x1BAA0] =	vst v27  }
0x49: {  	[tilespmem:$0x1BC40] =	vst v24  }
0x4a: {  	v42 =	vld.idx.msk [tilespmem:v33+s2+$0x0], $0xffff  }
0x4b: {  	v29 =	vld.idx.msk [tilespmem:v13+s2+$0x0], $0xffff  }
0x4c: {  	v30 =	vimm.s32 $0x0;
	vm0 =	veq.s32 v33, $0x0  }
0x4d: {  	v43 =	vimm.s32 $0x0;
	vm1 =	veq.s32 v13, $0x0;
	v30 =	vsel vm0, $0xFFFFFFFF, v30  }
0x4e: {  	[tilespmem:$0x1FF60] =	vst v30;
	v30 =	vsel vm1, $0xFFFFFFFF, v43  }
0x4f: {  	[tilespmem:$0x1FF70] =	vst v30;
	v30 =	vsel vm0, $0x0, v42  }
0x50: {  	v26 =	vsel vm1, $0x0, v29;
	[tilespmem:$0x1BAB0] =	vst v30  }
0x51: {  	[tilespmem:$0x1BC50] =	vst v26  }
0x52: {  	v44 =	vld.idx.msk [tilespmem:v28+s2+$0x0], $0xffff  }
0x53: {  	v32 =	vld.idx.msk [tilespmem:v14+s2+$0x0], $0xffff  }
0x54: {  	v31 =	vimm.s32 $0x0;
	vm0 =	veq.s32 v28, $0x0  }
0x55: {  	v45 =	vimm.s32 $0x0;
	vm1 =	veq.s32 v14, $0x0;
	v31 =	vsel vm0, $0xFFFFFFFF, v31  }
0x56: {  	[tilespmem:$0x1FF80] =	vst v31;
	v31 =	vsel vm1, $0xFFFFFFFF, v45  }
0x57: {  	[tilespmem:$0x1FF90] =	vst v31;
	v31 =	vsel vm0, $0x0, v44  }
0x58: {  	v29 =	vsel vm1, $0x0, v32;
	[tilespmem:$0x1BAC0] =	vst v31  }
0x59: {  	[tilespmem:$0x1BC60] =	vst v29  }
0x5a: {  	v46 =	vld.idx.msk [tilespmem:v25+s2+$0x0], $0xffff  }
0x5b: {  	v34 =	vld.idx.msk [tilespmem:v11+s2+$0x0], $0xffff  }
0x5c: {  	v35 =	vimm.s32 $0x0;
	vm0 =	veq.s32 v25, $0x0  }
0x5d: {  	v47 =	vimm.s32 $0x0;
	vm1 =	veq.s32 v11, $0x0;
	v35 =	vsel vm0, $0xFFFFFFFF, v35  }
0x5e: {  	[tilespmem:$0x1FFA0] =	vst v35;
	v35 =	vsel vm1, $0xFFFFFFFF, v47  }
0x5f: {  	[tilespmem:$0x1FFB0] =	vst v35;
	v35 =	vsel vm0, $0x0, v46  }
0x60: {  	v32 =	vsel vm1, $0x0, v34;
	[tilespmem:$0x1BAD0] =	vst v35  }
0x61: {  	[tilespmem:$0x1BC70] =	vst v32  }
0x62: {  	v48 =	vld.idx.msk [tilespmem:v23+s2+$0x0], $0xffff  }
0x63: {  	v36 =	vld.idx.msk [tilespmem:v10+s2+$0x0], $0xffff;
	_ =	sdelay $0x2  }
0x64: {  	vm13 =	veq.s32 v23, $0x0  }
0x65: {  	vm14 =	veq.s32 v10, $0x0;
	v37 =	vsel vm13, $0x0, v48  }
0x66: {  	v34 =	vsel vm14, $0x0, v36;
	[tilespmem:$0x1BAE0] =	vst v37  }
0x67: {  	[tilespmem:$0x1BC80] =	vst v34  }
0x68: {  	v49 =	vld.idx.msk [tilespmem:v22+s2+$0x0], $0xffff  }
0x69: {  	v39 =	vld.idx.msk [tilespmem:v9+s2+$0x0], $0xffff;
	_ =	sdelay $0x2  }
0x6a: {  	vm10 =	veq.s32 v22, $0x0  }
0x6b: {  	vm11 =	veq.s32 v9, $0x0;
	v40 =	vsel vm10, $0x0, v49  }
0x6c: {  	v36 =	vsel vm11, $0x0, v39;
	[tilespmem:$0x1BAF0] =	vst v40  }
0x6d: {  	[tilespmem:$0x1BC90] =	vst v36  }
0x6e: {  	v50 =	vld.idx.msk [tilespmem:v21+s2+$0x0], $0xffff  }
0x6f: {  	v42 =	vld.idx.msk [tilespmem:v8+s2+$0x0], $0xffff;
	_ =	sdelay $0x2  }
0x70: {  	vm8 =	veq.s32 v21, $0x0  }
0x71: {  	vm9 =	veq.s32 v8, $0x0;
	v41 =	vsel vm8, $0x0, v50  }
0x72: {  	v39 =	vsel vm9, $0x0, v42;
	[tilespmem:$0x1BB00] =	vst v41  }
0x73: {  	[tilespmem:$0x1BCA0] =	vst v39  }
0x74: {  	v51 =	vld.idx.msk [tilespmem:v20+s2+$0x0], $0xffff  }
0x75: {  	v43 =	vld.idx.msk [tilespmem:v7+s2+$0x0], $0xffff;
	_ =	sdelay $0x2  }
0x76: {  	vm6 =	veq.s32 v20, $0x0  }
0x77: {  	vm7 =	veq.s32 v7, $0x0;
	v44 =	vsel vm6, $0x0, v51  }
0x78: {  	v42 =	vsel vm7, $0x0, v43;
	[tilespmem:$0x1BB10] =	vst v44  }
0x79: {  	[tilespmem:$0x1BCB0] =	vst v42  }
0x7a: {  	v52 =	vld.idx.msk [tilespmem:v19+s2+$0x0], $0xffff  }
0x7b: {  	v45 =	vld.idx.msk [tilespmem:v6+s2+$0x0], $0xffff;
	_ =	sdelay $0x2  }
0x7c: {  	vm5 =	veq.s32 v19, $0x0  }
0x7d: {  	vm4 =	veq.s32 v6, $0x0;
	v46 =	vsel vm5, $0x0, v52  }
0x7e: {  	v43 =	vsel vm4, $0x0, v45;
	[tilespmem:$0x1BB20] =	vst v46  }
0x7f: {  	[tilespmem:$0x1BCC0] =	vst v43  }
0x80: {  	v53 =	vld.idx.msk [tilespmem:v18+s2+$0x0], $0xffff  }
0x81: {  	v48 =	vld.idx.msk [tilespmem:v5+s2+$0x0], $0xffff;
	_ =	sdelay $0x2  }
0x82: {  	vm2 =	veq.s32 v18, $0x0  }
0x83: {  	vm3 =	veq.s32 v5, $0x0;
	v47 =	vsel vm2, $0x0, v53  }
0x84: {  	v45 =	vsel vm3, $0x0, v48;
	[tilespmem:$0x1BB30] =	vst v47  }
0x85: {  	[tilespmem:$0x1BCD0] =	vst v45  }
0x86: {  	v54 =	vld.idx.msk [tilespmem:v17+s2+$0x0], $0xffff  }
0x87: {  	v50 =	vld.idx.msk [tilespmem:v4+s2+$0x0], $0xffff;
	_ =	sdelay $0x1  }
0x88: {  	v55 =	vimm.s32 $0x0;
	vm0 =	veq.s32 v4, $0x0  }
0x89: {  	vm15 =	veq.s32 v17, $0x0;
	v48 =	vsel vm0, $0xFFFFFFFF, v55  }
0x8a: {  	[tilespmem:$0x1FFC0] =	vst v48;
	v49 =	vsel vm15, $0x0, v54  }
0x8b: {  	v48 =	vsel vm0, $0x0, v50;
	[tilespmem:$0x1BB40] =	vst v49  }
0x8c: {  	[tilespmem:$0x1BCE0] =	vst v48  }
0x8d: {  	v56 =	vld.idx.msk [tilespmem:v16+s2+$0x0], $0xffff;
	_ =	sdelay $0x1  }
0x8e: {  	v52 =	vld.idx.msk [tilespmem:v3+s2+$0x0], $0xffff  }
0x8f: {  	v51 =	vimm.s32 $0x0;
	vm0 =	veq.s32 v16, $0x0  }
0x90: {  	v51 =	vsel vm0, $0xFFFFFFFF, v51  }
0x91: {  	v57 =	vimm.s32 $0x0;
	[tilespmem:$0x1FFD0] =	vst v51;
	v51 =	vsel vm0, $0x0, v56;
	vm0 =	veq.s32 v3, $0x0  }
0x92: {  	v50 =	vsel vm0, $0xFFFFFFFF, v57;
	[tilespmem:$0x1BB50] =	vst v51  }
0x93: {  	v53 =	vld [tilespmem:$0x1FFF0];
	[tilespmem:$0x1FFE0] =	vst v50;
	v50 =	vsel vm0, $0x0, v52  }
0x94: {  	[tilespmem:$0x1BCF0] =	vst v50  }
0x95: {  	v58 =	vld.idx.msk [tilespmem:v15+s2+$0x0], $0xffff  }
0x96: {  	v54 =	vld.idx.msk [tilespmem:v2+s2+$0x0], $0xffff;
	_ =	sdelay $0x1  }
0x97: {  	vm12 =	vne.s32 v15, $0x0;
	vm0 =	vnez.u8 v53  }
0x98: {  	vm1 =	vmand vm12, vm0;
	vm12 =	vne.s32 v2, $0x0  }
0x99: {  	vm12 =	vmand vm12, vm0;
	v53 =	vnsel vm1, $0x0, v58  }
0x9a: {  	v52 =	vnsel vm12, $0x0, v54;
	[tilespmem:$0x1BB60] =	vst v53  }
0x9b: {  	[tilespmem:$0x1BD00] =	vst v52  }
0x9c: {  	[tilespmem:v38+s2+$0x0] =	vst.idx.msk $0xffff, v1  }
0x9d: {  	[tilespmem:v33+s2+$0x0] =	vst.idx.msk $0xffff, v1  }
0x9e: {  	[tilespmem:v28+s2+$0x0] =	vst.idx.msk $0xffff, v1  }
0x9f: {  	[tilespmem:v25+s2+$0x0] =	vst.idx.msk $0xffff, v1  }
0xa0: {  	[tilespmem:v23+s2+$0x0] =	vst.idx.msk $0xffff, v1  }
0xa1: {  	[tilespmem:v22+s2+$0x0] =	vst.idx.msk $0xffff, v1  }
0xa2: {  	[tilespmem:v21+s2+$0x0] =	vst.idx.msk $0xffff, v1  }
0xa3: {  	[tilespmem:v20+s2+$0x0] =	vst.idx.msk $0xffff, v1  }
0xa4: {  	[tilespmem:v19+s2+$0x0] =	vst.idx.msk $0xffff, v1  }
0xa5: {  	[tilespmem:v18+s2+$0x0] =	vst.idx.msk $0xffff, v1  }
0xa6: {  	[tilespmem:v17+s2+$0x0] =	vst.idx.msk $0xffff, v1  }
0xa7: {  	v60 =	vld [tilespmem:$0x1FF50];
	[tilespmem:v16+s2+$0x0] =	vst.idx.msk $0xffff, v1  }
0xa8: {  	v55 =	vld [tilespmem:$0x1FF40];
	[tilespmem:v15+s2+$0x0] =	vst.idx.msk $0xffff, v1  }
0xa9: {  	[tilespmem:v12+s2+$0x0] =	vst.idx.add.f32.msk $0xffff, v0  }
0xaa: {  	[tilespmem:v13+s2+$0x0] =	vst.idx.add.f32.msk $0xffff, v0  }
0xab: {  	[tilespmem:v14+s2+$0x0] =	vst.idx.add.f32.msk $0xffff, v0  }
0xac: {  	[tilespmem:v11+s2+$0x0] =	vst.idx.add.f32.msk $0xffff, v0  }
0xad: {  	[tilespmem:v10+s2+$0x0] =	vst.idx.add.f32.msk $0xffff, v0  }
0xae: {  	[tilespmem:v9+s2+$0x0] =	vst.idx.add.f32.msk $0xffff, v0  }
0xaf: {  	[tilespmem:v8+s2+$0x0] =	vst.idx.add.f32.msk $0xffff, v0  }
0xb0: {  	[tilespmem:v7+s2+$0x0] =	vst.idx.add.f32.msk $0xffff, v0  }
0xb1: {  	[tilespmem:v6+s2+$0x0] =	vst.idx.add.f32.msk $0xffff, v0  }
0xb2: {  	[tilespmem:v5+s2+$0x0] =	vst.idx.add.f32.msk $0xffff, v0  }
0xb3: {  	[tilespmem:v4+s2+$0x0] =	vst.idx.add.f32.msk $0xffff, v0  }
0xb4: {  	[tilespmem:v3+s2+$0x0] =	vst.idx.add.f32.msk $0xffff, v0  }
0xb5: {  	[tilespmem:v2+s2+$0x0] =	vst.idx.add.f32.msk $0xffff, v0  }
0xb6: {  	v38 =	vld.idx.msk [tilespmem:v38+s2+$0x0], $0xffff  }
0xb7: {  	v59 =	vld.idx.msk [tilespmem:v12+s2+$0x0], $0xffff;
	_ =	sdelay $0x2  }
0xb8: {  	vm0 =	vmmov vm1;
	vm1 =	vnez.u8 v55  }
0xb9: {  	v38 =	vnsel vm1, $0x0, v38;
	vm1 =	vnez.u8 v60  }
0xba: {  	v62 =	vld [tilespmem:$0x1FF70];
	v54 =	vnsel vm1, $0x0, v59;
	[tilespmem:$0x1BB70] =	vst v38  }
0xbb: {  	v56 =	vld [tilespmem:$0x1FF60];
	[tilespmem:$0x1BD10] =	vst v54  }
0xbc: {  	v33 =	vld.idx.msk [tilespmem:v33+s2+$0x0], $0xffff  }
0xbd: {  	v61 =	vld.idx.msk [tilespmem:v13+s2+$0x0], $0xffff;
	_ =	sdelay $0x2  }
0xbe: {  	vm1 =	vnez.u8 v56  }
0xbf: {  	v33 =	vsel vm1, $0x0, v33;
	vm1 =	vnez.u8 v62  }
0xc0: {  	v57 =	vld [tilespmem:$0x1FF80];
	v55 =	vsel vm1, $0x0, v61;
	[tilespmem:$0x1BB80] =	vst v33  }
0xc1: {  	v60 =	vld [tilespmem:$0x1FF90];
	[tilespmem:$0x1BD20] =	vst v55  }
0xc2: {  	v28 =	vld.idx.msk [tilespmem:v28+s2+$0x0], $0xffff  }
0xc3: {  	v63 =	vld.idx.msk [tilespmem:v14+s2+$0x0], $0xffff;
	_ =	sdelay $0x2  }
0xc4: {  	vm1 =	vnez.u8 v57  }
0xc5: {  	v28 =	vsel vm1, $0x0, v28;
	vm1 =	vnez.u8 v60  }
0xc6: {  	v58 =	vld [tilespmem:$0x1FFA0];
	v56 =	vsel vm1, $0x0, v63;
	[tilespmem:$0x1BB90] =	vst v28  }
0xc7: {  	v62 =	vld [tilespmem:$0x1FFB0];
	[tilespmem:$0x1BD30] =	vst v56  }
0xc8: {  	v25 =	vld.idx.msk [tilespmem:v25+s2+$0x0], $0xffff  }
0xc9: {  	v61 =	vld.idx.msk [tilespmem:v11+s2+$0x0], $0xffff;
	_ =	sdelay $0x2  }
0xca: {  	vm1 =	vnez.u8 v58  }
0xcb: {  	v25 =	vsel vm1, $0x0, v25;
	vm1 =	vnez.u8 v62  }
0xcc: {  	v57 =	vsel vm1, $0x0, v61;
	[tilespmem:$0x1BBA0] =	vst v25  }
0xcd: {  	[tilespmem:$0x1BD40] =	vst v57  }
0xce: {  	v23 =	vld.idx.msk [tilespmem:v23+s2+$0x0], $0xffff  }
0xcf: {  	v63 =	vld.idx.msk [tilespmem:v10+s2+$0x0], $0xffff;
	_ =	sdelay $0x3  }
0xd0: {  	v23 =	vsel vm13, $0x0, v23  }
0xd1: {  	v58 =	vsel vm14, $0x0, v63;
	[tilespmem:$0x1BBB0] =	vst v23  }
0xd2: {  	[tilespmem:$0x1BD50] =	vst v58  }
0xd3: {  	v22 =	vld.idx.msk [tilespmem:v22+s2+$0x0], $0xffff  }
0xd4: {  	v59 =	vld.idx.msk [tilespmem:v9+s2+$0x0], $0xffff;
	_ =	sdelay $0x3  }
0xd5: {  	v22 =	vsel vm10, $0x0, v22  }
0xd6: {  	v59 =	vsel vm11, $0x0, v59;
	[tilespmem:$0x1BBC0] =	vst v22  }
0xd7: {  	[tilespmem:$0x1BD60] =	vst v59  }
0xd8: {  	v21 =	vld.idx.msk [tilespmem:v21+s2+$0x0], $0xffff  }
0xd9: {  	v60 =	vld.idx.msk [tilespmem:v8+s2+$0x0], $0xffff;
	_ =	sdelay $0x3  }
0xda: {  	v21 =	vsel vm8, $0x0, v21  }
0xdb: {  	v60 =	vsel vm9, $0x0, v60;
	[tilespmem:$0x1BBD0] =	vst v21  }
0xdc: {  	[tilespmem:$0x1BD70] =	vst v60  }
0xdd: {  	v20 =	vld.idx.msk [tilespmem:v20+s2+$0x0], $0xffff  }
0xde: {  	v61 =	vld.idx.msk [tilespmem:v7+s2+$0x0], $0xffff;
	_ =	sdelay $0x3  }
0xdf: {  	v20 =	vsel vm6, $0x0, v20  }
0xe0: {  	v61 =	vsel vm7, $0x0, v61;
	[tilespmem:$0x1BBE0] =	vst v20  }
0xe1: {  	[tilespmem:$0x1BD80] =	vst v61  }
0xe2: {  	v19 =	vld.idx.msk [tilespmem:v19+s2+$0x0], $0xffff  }
0xe3: {  	v62 =	vld.idx.msk [tilespmem:v6+s2+$0x0], $0xffff;
	_ =	sdelay $0x3  }
0xe4: {  	v19 =	vsel vm5, $0x0, v19  }
0xe5: {  	v62 =	vsel vm4, $0x0, v62;
	[tilespmem:$0x1BBF0] =	vst v19  }
0xe6: {  	[tilespmem:$0x1BD90] =	vst v62  }
0xe7: {  	v27 =	vadd.f32 $0.0e+00, v27;
	v18 =	vld.idx.msk [tilespmem:v18+s2+$0x0], $0xffff  }
0xe8: {  	v24 =	vadd.f32 $0.0e+00, v24;
	v63 =	vld.idx.msk [tilespmem:v5+s2+$0x0], $0xffff  }
0xe9: {  	v27 =	vadd.f32 v30, v27  }
0xea: {  	v24 =	vadd.f32 v26, v24;
	v54 =	vadd.f32 $0.0e+00, v54  }
0xeb: {  	v26 =	vadd.f32 v31, v27  }
0xec: {  	v24 =	vadd.f32 v29, v24;
	v54 =	vadd.f32 v55, v54;
	v18 =	vsel vm2, $0x0, v18  }
0xed: {  	v26 =	vadd.f32 v35, v26;
	v38 =	vadd.f32 $0.0e+00, v38;
	v63 =	vsel vm3, $0x0, v63;
	[tilespmem:$0x1BC00] =	vst v18  }
0xee: {  	v24 =	vadd.f32 v32, v24;
	v55 =	vadd.f32 v56, v54;
	v56 =	vld [tilespmem:$0x1FFC0];
	[tilespmem:$0x1BDA0] =	vst v63  }
0xef: {  	v26 =	vadd.f32 v37, v26;
	v30 =	vadd.f32 v33, v38;
	v17 =	vld.idx.msk [tilespmem:v17+s2+$0x0], $0xffff  }
0xf0: {  	v24 =	vadd.f32 v34, v24;
	v38 =	vld.idx.msk [tilespmem:v4+s2+$0x0], $0xffff  }
0xf1: {  	v28 =	vadd.f32 v28, v30;
	v30 =	vadd.f32 v40, v26  }
0xf2: {  	v32 =	vadd.f32 v36, v24  }
0xf3: {  	v33 =	vadd.f32 v41, v30;
	v25 =	vadd.f32 v25, v28  }
0xf4: {  	v35 =	vadd.f32 v39, v32;
	vm2 =	vnez.u8 v56;
	v17 =	vsel vm15, $0x0, v17  }
0xf5: {  	v41 =	vld [tilespmem:$0x1FFE0];
	v36 =	vadd.f32 v44, v33;
	v23 =	vadd.f32 v23, v25;
	v27 =	vsel vm2, $0x0, v38;
	[tilespmem:$0x1BC10] =	vst v17  }
0xf6: {  	v39 =	vadd.f32 v42, v35;
	v38 =	vld [tilespmem:$0x1FFD0];
	[tilespmem:$0x1BDB0] =	vst v27  }
0xf7: {  	v40 =	vadd.f32 v46, v36;
	v22 =	vadd.f32 v22, v23;
	v16 =	vld.idx.msk [tilespmem:v16+s2+$0x0], $0xffff  }
0xf8: {  	v42 =	vadd.f32 v43, v39;
	v34 =	vld.idx.msk [tilespmem:v3+s2+$0x0], $0xffff  }
0xf9: {  	v43 =	vadd.f32 v47, v40;
	v21 =	vadd.f32 v21, v22;
	_ =	sdelay $0x1  }
0xfa: {  	v46 =	vadd.f32 v49, v43;
	v20 =	vadd.f32 v20, v21;
	vm2 =	vnez.u8 v38  }
0xfb: {  	v16 =	vsel vm2, $0x0, v16;
	vm2 =	vnez.u8 v41  }
0xfc: {  	v19 =	vadd.f32 v19, v20;
	v20 =	vadd.f32 v51, v46;
	v23 =	vsel vm2, $0x0, v34;
	[tilespmem:$0x1BC20] =	vst v16  }
0xfd: {  	[tilespmem:$0x1BDC0] =	vst v23  }
0xfe: {  	v53 =	vadd.f32 v53, v20;
	v18 =	vadd.f32 v18, v19;
	v15 =	vld.idx.msk [tilespmem:v15+s2+$0x0], $0xffff;
	_ =	sdelay $0x1  }
0xff: {  	(xrf2) =	vadd.scan.msk.f32 $0xffff, v53;
	v17 =	vadd.f32 v17, v18;
	v49 =	vld.idx.msk [tilespmem:v2+s2+$0x0], $0xffff;
	_ =	sdelay $0x1  }
0x100: {  	v16 =	vadd.f32 v16, v17  }
0x101: {  	v15 =	vnsel vm0, $0x0, v15  }
0x102: {  	v57 =	vadd.f32 v57, v55;
	v16 =	vadd.f32 v15, v16  }
0x103: {  	v18 =	vnsel vm12, $0x0, v49;
	[tilespmem:$0x1BC30] =	vst v15  }
0x104: {  	v31 =	vadd.f32 v58, v57;
	[tilespmem:$0x1BDD0] =	vst v18;
	(xrf2) =	vadd.scan.msk.f32 $0xffff, v16  }
0x105: {  	[tilespmem:v12+s2+$0x0] =	vst.idx.msk $0xffff, v1  }
0x106: {  	v26 =	vadd.f32 v59, v31;
	[tilespmem:v13+s2+$0x0] =	vst.idx.msk $0xffff, v1  }
0x107: {  	v45 =	vadd.f32 v45, v42;
	[tilespmem:v14+s2+$0x0] =	vst.idx.msk $0xffff, v1  }
0x108: {  	v37 =	vadd.f32 v60, v26;
	v56, _, _ =	vpop (xrf2);
	[tilespmem:v11+s2+$0x0] =	vst.idx.msk $0xffff, v1  }
0x109: {  	v19 =	vadd.f32 v48, v45;
	v58 =	vadd.f32 $9.999999740e-06, v56;
	[tilespmem:v10+s2+$0x0] =	vst.idx.msk $0xffff, v1  }
0x10a: {  	[tilespmem:v9+s2+$0x0] =	vst.idx.msk $0xffff, v1  }
0x10b: {  	v24 =	vadd.f32 v61, v37;
	v51 =	vadd.f32 v50, v19;
	v61 =	vbroadcast v58, $0xF;
	[tilespmem:v8+s2+$0x0] =	vst.idx.msk $0xffff, v1  }
0x10c: {  	[tilespmem:v7+s2+$0x0] =	vst.idx.msk $0xffff, v1  }
0x10d: {  	(erf) = vrcp.f32 v61;
	v17 =	vadd.f32 v52, v51;
	[tilespmem:v6+s2+$0x0] =	vst.idx.msk $0xffff, v1  }
0x10e: {  	v44 =	vadd.f32 v62, v24;
	[tilespmem:v5+s2+$0x0] =	vst.idx.msk $0xffff, v1;
	v57, _, _ =	vpop (xrf2)  }
0x10f: {  	(xrf2) =	vadd.scan.msk.f32 $0xffff, v17;
	[tilespmem:v4+s2+$0x0] =	vst.idx.msk $0xffff, v1;
	v60 =	vadd.f32 $9.999999740e-06, v57  }
0x110: {  	v47 =	vadd.f32 v63, v44;
	[tilespmem:v3+s2+$0x0] =	vst.idx.msk $0xffff, v1  }
0x111: {  	[tilespmem:v2+s2+$0x0] =	vst.idx.msk $0xffff, v1;
	v12 =	vbroadcast v60, $0xF  }
0x112: {  	v21 =	vadd.f32 v27, v47;
	v4 =	vld [tilespmem:$0x1BAA0]  }
0x113: {  	v19 =	vld [tilespmem:$0x1BAB0];
	(erf) = vrcp.f32 v12  }
0x114: {  	v54 =	vadd.f32 v23, v21;
	v25 =	vld [tilespmem:$0x1BAC0]  }
0x115: {  	v33 =	vld [tilespmem:$0x1BAD0]  }
0x116: {  	v55 =	vadd.f32 v18, v54;
	v2 =	vpop (erf);
	v41 =	vld [tilespmem:$0x1BAE0]  }
0x117: {  	v49 =	vld [tilespmem:$0x1BAF0];
	v20 =	vmul.f32 v4, v2  }
0x118: {  	(xrf2) =	vadd.scan.msk.f32 $0xffff, v55;
	v16 =	vld [tilespmem:$0x1BB70];
	v26 =	vmul.f32 v19, v2  }
0x119: {  	v59, _, _ =	vpop (xrf2);
	v21 =	vld [tilespmem:$0x1BB80];
	v34 =	vmul.f32 v25, v2;
	[tilespmem:$0x1BAA0] =	vst v20  }
0x11a: {  	v62 =	vadd.f32 $9.999999740e-06, v59;
	v27 =	vld [tilespmem:$0x1BB90];
	v42 =	vmul.f32 v33, v2;
	[tilespmem:$0x1BAB0] =	vst v26  }
0x11b: {  	v35 =	vld [tilespmem:$0x1BBA0];
	v50 =	vmul.f32 v41, v2;
	[tilespmem:$0x1BAC0] =	vst v34  }
0x11c: {  	v43 =	vld [tilespmem:$0x1BBB0];
	v14 =	vbroadcast v62, $0xF;
	v58 =	vmul.f32 v49, v2;
	[tilespmem:$0x1BAD0] =	vst v42;
	v3 =	vpop (erf)  }
0x11d: {  	v51 =	vld [tilespmem:$0x1BBC0];
	[tilespmem:$0x1BAE0] =	vst v50;
	v22 =	vmul.f32 v16, v3  }
0x11e: {  	v59 =	vld [tilespmem:$0x1BBD0];
	(erf) = vrcp.f32 v14;
	[tilespmem:$0x1BAF0] =	vst v58;
	v28 =	vmul.f32 v21, v3  }
0x11f: {  	v26 =	vld [tilespmem:$0x1BBF0];
	v36 =	vmul.f32 v27, v3;
	[tilespmem:$0x1BB70] =	vst v22  }
0x120: {  	v34 =	vld [tilespmem:$0x1BC00];
	v44 =	vmul.f32 v35, v3;
	[tilespmem:$0x1BB80] =	vst v28  }
0x121: {  	v42 =	vld [tilespmem:$0x1BC10];
	v52 =	vmul.f32 v43, v3;
	[tilespmem:$0x1BB90] =	vst v36  }
0x122: {  	v63, _, _ =	vpop (xrf2);
	v50 =	vld [tilespmem:$0x1BC20];
	v60 =	vmul.f32 v51, v3;
	[tilespmem:$0x1BBA0] =	vst v44  }
0x123: {  	v17 =	vld [tilespmem:$0x1BC40];
	v13 =	vadd.f32 $9.999999740e-06, v63;
	v19 =	vmul.f32 v59, v3;
	[tilespmem:$0x1BBB0] =	vst v52  }
0x124: {  	v23 =	vld [tilespmem:$0x1BC50];
	v35 =	vmul.f32 v26, v3;
	[tilespmem:$0x1BBC0] =	vst v60  }
0x125: {  	v29 =	vld [tilespmem:$0x1BC60];
	v15 =	vbroadcast v13, $0xF;
	v43 =	vmul.f32 v34, v3;
	[tilespmem:$0x1BBD0] =	vst v19  }
0x126: {  	v37 =	vld [tilespmem:$0x1BC70];
	v51 =	vmul.f32 v42, v3;
	[tilespmem:$0x1BBF0] =	vst v35  }
0x127: {  	v45 =	vld [tilespmem:$0x1BC80];
	(erf) = vrcp.f32 v15;
	v4 =	vpop (erf);
	v59 =	vmul.f32 v50, v3;
	[tilespmem:$0x1BC00] =	vst v43  }
0x128: {  	v53 =	vld [tilespmem:$0x1BC90];
	v6 =	vmul.f32 v17, v4;
	[tilespmem:$0x1BC10] =	vst v51  }
0x129: {  	v57 =	vld [tilespmem:$0x1BB00];
	v30 =	vmul.f32 v23, v4;
	[tilespmem:$0x1BC20] =	vst v59  }
0x12a: {  	v61 =	vld [tilespmem:$0x1BCA0];
	v38 =	vmul.f32 v29, v4;
	[tilespmem:$0x1BC40] =	vst v6  }
0x12b: {  	v20 =	vld [tilespmem:$0x1BCB0];
	v46 =	vmul.f32 v37, v4;
	[tilespmem:$0x1BC50] =	vst v30  }
0x12c: {  	v18 =	vld [tilespmem:$0x1BD10];
	v54 =	vmul.f32 v45, v4;
	[tilespmem:$0x1BC60] =	vst v38  }
0x12d: {  	v24 =	vld [tilespmem:$0x1BD20];
	v62 =	vmul.f32 v53, v4;
	[tilespmem:$0x1BC70] =	vst v46  }
0x12e: {  	v31 =	vld [tilespmem:$0x1BD30];
	v17 =	vmul.f32 v57, v2;
	[tilespmem:$0x1BC80] =	vst v54  }
0x12f: {  	v39 =	vld [tilespmem:$0x1BD40];
	v21 =	vmul.f32 v61, v4;
	[tilespmem:$0x1BC90] =	vst v62  }
0x130: {  	v47 =	vld [tilespmem:$0x1BD50];
	v5 =	vpop (erf);
	v29 =	vmul.f32 v20, v4;
	[tilespmem:$0x1BB00] =	vst v17  }
0x131: {  	v55 =	vld [tilespmem:$0x1BD60];
	v7 =	vmul.f32 v18, v5;
	[tilespmem:$0x1BCA0] =	vst v21  }
0x132: {  	v63 =	vld [tilespmem:$0x1BD70];
	v32 =	vmul.f32 v24, v5;
	[tilespmem:$0x1BCB0] =	vst v29  }
0x133: {  	v16 =	vld [tilespmem:$0x1BB10];
	v40 =	vmul.f32 v31, v5;
	[tilespmem:$0x1BD10] =	vst v7  }
0x134: {  	v48 =	vmul.f32 v39, v5;
	v18 =	vld [tilespmem:$0x1BBE0];
	[tilespmem:$0x1BD20] =	vst v32  }
0x135: {  	v56 =	vmul.f32 v47, v5;
	v22 =	vld [tilespmem:$0x1BD80];
	[tilespmem:$0x1BD30] =	vst v40  }
0x136: {  	v15 =	vmul.f32 v55, v5;
	v24 =	vld [tilespmem:$0x1BB20];
	[tilespmem:$0x1BD40] =	vst v48  }
0x137: {  	v23 =	vmul.f32 v63, v5;
	v28 =	vld [tilespmem:$0x1BCC0];
	[tilespmem:$0x1BD50] =	vst v56  }
0x138: {  	v36 =	vld [tilespmem:$0x1BCD0];
	[tilespmem:$0x1BD60] =	vst v15;
	v25 =	vmul.f32 v16, v2  }
0x139: {  	v44 =	vld [tilespmem:$0x1BCE0];
	[tilespmem:$0x1BD70] =	vst v23;
	v27 =	vmul.f32 v18, v3  }
0x13a: {  	v52 =	vld [tilespmem:$0x1BCF0];
	[tilespmem:$0x1BB10] =	vst v25;
	v31 =	vmul.f32 v22, v5  }
0x13b: {  	v58 =	vld [tilespmem:$0x1BC30];
	v33 =	vmul.f32 v24, v2;
	[tilespmem:$0x1BBE0] =	vst v27  }
0x13c: {  	v30 =	vld [tilespmem:$0x1BD90];
	v37 =	vmul.f32 v28, v4;
	[tilespmem:$0x1BD80] =	vst v31  }
0x13d: {  	v38 =	vld [tilespmem:$0x1BDA0];
	v45 =	vmul.f32 v36, v4;
	[tilespmem:$0x1BB20] =	vst v33  }
0x13e: {  	v46 =	vld [tilespmem:$0x1BDB0];
	v53 =	vmul.f32 v44, v4;
	[tilespmem:$0x1BCC0] =	vst v37  }
0x13f: {  	v54 =	vld [tilespmem:$0x1BDC0];
	v61 =	vmul.f32 v52, v4;
	[tilespmem:$0x1BCD0] =	vst v45  }
0x140: {  	v32 =	vld [tilespmem:$0x1BB30];
	v3 =	vmul.f32 v58, v3;
	[tilespmem:$0x1BCE0] =	vst v53  }
0x141: {  	v40 =	vld [tilespmem:$0x1BB40];
	v39 =	vmul.f32 v30, v5;
	[tilespmem:$0x1BCF0] =	vst v61  }
0x142: {  	v48 =	vld [tilespmem:$0x1BB50];
	v47 =	vmul.f32 v38, v5;
	[tilespmem:$0x1BC30] =	vst v3  }
0x143: {  	v56 =	vld [tilespmem:$0x1BB60];
	v55 =	vmul.f32 v46, v5;
	[tilespmem:$0x1BD90] =	vst v39  }
0x144: {  	v62 =	vld [tilespmem:$0x1BDD0];
	v63 =	vmul.f32 v54, v5;
	[tilespmem:$0x1BDA0] =	vst v47  }
0x145: {  	v60 =	vld [tilespmem:$0x1BD00];
	v41 =	vmul.f32 v32, v2;
	[tilespmem:$0x1BDB0] =	vst v55  }
0x146: {  	v49 =	vmul.f32 v40, v2;
	[tilespmem:$0x1BDC0] =	vst v63  }
0x147: {  	v57 =	vmul.f32 v48, v2;
	[tilespmem:$0x1BB30] =	vst v41  }
0x148: {  	v2 =	vmul.f32 v56, v2;
	[tilespmem:$0x1BB40] =	vst v49  }
0x149: {  	v3 =	vmul.f32 v62, v5;
	[tilespmem:$0x1BB50] =	vst v57  }
0x14a: {  	[tilespmem:$0x1BB60] =	vst v2;
	v2 =	vmul.f32 v60, v4  }
0x14b: {  	[tilespmem:$0x1BDD0] =	vst v3  }
0x14c: {  	s22 =	sadd.s32 s21, s10;
	[tilespmem:$0x1BD00] =	vst v2  }
0x14d: {  	[hbm4b:s22+s2] =	stream.linear.scatter [tilespmem:s14], [sflag:$0x1], $0xC8, $0x38;
	[tilespmem:$0x1BDE0] =	vst v63  }
0x14e: {  	_ =	swait.ge [sflag:s11], $0xC8  }
0x14f: {  	[sflag:s11] =	ssyncset.done $0x0  }
0x150: {  	s29 =	sadd.s32 s21, s9;
	[sflag:s11] =	ssyncadd.s32 $0xFFFFFF38  }
0x151: {  	[hbm4b:s29+s2] =	stream.linear.scatter [tilespmem:s15], [sflag:$0x1], $0xC8, $0x38;
	[tilespmem:$0x1BDE0] =	vst v63  }
0x152: {  	_ =	swait.ge [sflag:s11], $0xC8  }
0x153: {  	[sflag:s11] =	ssyncset.done $0x0  }
0x154: {  	s30 =	sadd.s32 s21, s8;
	[sflag:s11] =	ssyncadd.s32 $0xFFFFFF38  }
0x155: {  	[hbm4b:s30+s2] =	stream.linear.scatter [tilespmem:s16], [sflag:$0x1], $0xC8, $0x38;
	[tilespmem:$0x1BDE0] =	vst v63  }
0x156: {  	_ =	swait.ge [sflag:s11], $0xC8  }
0x157: {  	p0 =	sne.s32 s21, $0x307;
	[sflag:s11] =	ssyncset.done $0x0  }
.Ltmp0:
0x158: {  	s31 =	sadd.s32 s21, s7;
	[sflag:s11] =	ssyncadd.s32 $0xFFFFFF38;
	(pc) =	sbr.rel @p0 .LBB2_2-.Ltmp0, $4  }
0x159: {  	[hbm4b:s31+s2] =	stream.linear.scatter [tilespmem:s17], [sflag:$0x1], $0xC8, $0x38;
	[tilespmem:$0x1BDE0] =	vst v63  }
0x15a: {  	_ =	swait.ge [sflag:s11], $0xC8  }
0x15b: {  	s19 =	sadd.s32 $0xD0, s19;
	[sflag:s11] =	ssyncset.done $0x0  }
0x15c: {  	s20 =	sadd.s32 $0xD0, s20;
	s21 =	sadd.s32 $0x19, s21;
	vm1 =	vcmask $0x3F04;
	[sflag:s11] =	ssyncadd.s32 $0xFFFFFF38  }
0x15d: {  	s18 =	sadd.s32 $0x1, s18  }
0x15e: {  	p0 =	sne.s32 s18, s6  }
.Ltmp1:
0x15f: {  	_ = 	snop;
	(pc) =	sbr.rel @p0 .LBB2_1-.Ltmp1, $1  }
0x160: {  	_ =	sdelay $0x3  }
0x161: {  	_ =	sfence.sel $0x180000  }
0x162: {  	[bflag:$0x0] =	sbarrier.arrive $0xFFFF  }
0x163: {  	p0 =	sne.s32 s1, $0x0;
	_ =	strace $0x90000047  }
0x164: {  	s0 =	sadd.s32 @!p0 $0x100000, s0;
	[bflag:$0x2] =	sbarrier.arrive $0xFFFF  }
0x165: {  	[sflag:s0] =	ssyncadd.tile.s32 @!p0 $0x1;
	_ =	shalt  }
.Lfunc_end2:
_tile_overlayer_lowered:
.L_overlay_start_2:
0x166: {  	(tag) =	ssettag $0x2  }
0x167: {  	s0 =	rddreg [dreg:$0x0];
	s2 =	stileid.u32  }
0x168: {  	s1 =	rddreg [dreg:$0x1];
	p0 =	sne.s32 s2, $0x0  }
0x169: {  	s3 =	rddreg [dreg:$0x2];
	[bflag:$0x3] =	sbarrier.arrive $0xFFFF;
	s2 =	simm.s32 @!p0 $0x1C01  }
0x16a: {  	[timem:s3], [sflag:s2] =	dma.local @!p0 [hbm:s0], s1  }
0x16b: {  	s0 =	simm.s32 @!p0 $0x1  }
0x16c: {  	_ =	swait.ge @!p0 [sflag:s0], s1  }
0x16d: {  	s1 =	ssub.s32 @!p0 $0x0, s1;
	[sflag:s0] =	ssyncset.done @!p0 $0x0  }
0x16e: {  	[sflag:s0] =	ssyncadd.s32 @!p0 s1  }
0x16f: {  	[bflag:$0x3] =	sbarrier.arrive $0xFFFF  }
0x170: {  	_ =	shalt  }

// kernel: sparse-core-data-format-call.1.cloned.1.call-start
scs
called_computation.1_lowered:
.L_overlay_start_0:
0x0: {  	s2 =	sld [smem:$0x3FD9]  }
0x1: {  	s3 =	sld [smem:$0x3FFE];
	_ =	sdelay $0x1  }
0x2: {  	s1 =	srdreg.scid  }
0x3: {  	s0 =	sand.u32 $0x1, s1  }
0x4: {  	s16 =	sshll.u32 s0, $0xA;
	s2 =	sadd.s32 s3, s2  }
0x5: {  	s2 =	sadd.s32 s2, s16  }
0x6: {  	[smem:$0x3FC5] =	sst s2  }
0x7: {  	_ = 	snop  }
0x8: {  	s2 =	sld [smem:$0x3FD0];
	_ =	sdelay $0x2  }
0x9: {  	s17 =	simm.s32 $0xB;
	s4 =	simm.s32 $0x10  }
0xa: {  	[smem:s4], [sflag:s17] =	dma.local [hbm:s2], $0x1  }
0xb: {  	_ =	swait.eq [sflag:s17], $0x1  }
0xc: {  	[sflag:s17] =	ssyncset.done $0x0  }
0xd: {  	[sflag:s17] =	ssyncadd.s32 $0xFFFFFFFF  }
0xe: {  	s18 =	sld [smem:$0x10];
	(tm) =	ssettm $0x1  }
0xf: {  	s19 =	sld [smem:$0x3FFB];
	_ =	sdelay $0x3  }
0x10: {  	_ =	strace s19  }
0x11: {  	s2 =	sld [smem:$0x3FFC];
	_ =	sdelay $0x3  }
0x12: {  	_ =	strace s2  }
0x13: {  	s2 =	sld [smem:$0x3FFD];
	_ =	sdelay $0x3  }
0x14: {  	_ =	strace s2  }
0x15: {  	_ =	strace $0x8FFFFFFF  }
0x16: {  	s20 =	sld [smem:$0x3FDB];
	_ =	sdelay $0x1  }
0x17: {  	s21 =	simm.s32 $_scs_section_size  }
0x18: {  	s5 =	simm.s32 $_size__tile_overlayer_lowered;
	s6 =	simm.s32 $_tile_overlayer_lowered  }
0x19: {  	s7 =	simm.s32 $0x1BFF;
	s22 =	sshll.u32 s6, $0x1;
	s4 =	sadd.s32 s21, s20  }
0x1a: {  	s23 =	simm.s32 $0x0;
	s5 =	sshll.u32 s5, $0x1;
	s6 =	sadd.s32 s22, s4  }
0x1b: {  	[timem:s23], [sflag:s7] =	dma.local [hbm:s6], s5  }
0x1c: {  	_ =	swait.ge [sflag:s7], s5  }
0x1d: {  	s5 =	ssub.s32 $0x0, s5;
	[sflag:s7] =	ssyncset.done $0x0  }
0x1e: {  	[sflag:s7] =	ssyncadd.s32 s5;
	_ =	sdelay $0x1  }
0x1f: {  	s24 =	simm.s32 $0x1B8B  }
0x20: {  	_ =	swait.ge [sflag:s24], $0x1  }
0x21: {  	[sflag:s24] =	ssyncset.done $0x0  }
0x22: {  	[sflag:s24] =	ssyncadd.s32 $0xFFFFFFFF  }
0x23: {  	s5 =	sld [smem:$0x0]  }
0x24: {  	s6 =	sand.u32 $0xFFFFFFFE, s1  }
0x25: {  	p0 =	sne.s32 s1, s6  }
0x26: {  	s6 =	sshll.u32 @p0 s6, $0xE  }
0x27: {  	s6 =	sadd.s32 @p0 $0x11B8D, s6;
	s7 =	sshll.u32 @p0 s5, $0x11  }
0x28: {  	s6 =	sor.u32 @p0 s7, s6  }
0x29: {  	[sflag:s6] =	ssyncadd.remote.s32 @p0 $0x1;
	_ =	sdelay $0x1  }
0x2a: {  	s6 =	simm.s32 @p0 $0x1B8D  }
0x2b: {  	_ =	swait.eq @p0 [sflag:s6], $0x1  }
0x2c: {  	[sflag:s6] =	ssyncadd.s32 @p0 $0xFFFFFFFF  }
0x2d: {  	s7 =	sshll.u32 @!p0 s1, $0xE  }
0x2e: {  	s7 =	sor.u32 @!p0 $0x4000, s7;
	s6 =	simm.s32 @!p0 $0x1B8D  }
0x2f: {  	s5 =	sshll.u32 @!p0 s5, $0x11;
	s7 =	sadd.s32 @!p0 $0x11B8D, s7;
	_ =	swait.eq @!p0 [sflag:s6], $0x1  }
0x30: {  	s5 =	sor.u32 @!p0 s5, s7;
	[sflag:s6] =	ssyncadd.s32 @!p0 $0xFFFFFFFF  }
0x31: {  	s26 =	simm.s32 $0x1B8E;
	s25 =	sld [smem:$0x3FFE];
	[sflag:s5] =	ssyncadd.remote.s32 @!p0 $0x1  }
0x32: {  	s27 =	simm.s32 $execute0_lowered;
	[smem:$0x3FD2] =	sst s26  }
0x33: {  	s6 =	sshll.u32 s27, $0x1;
	_ =	strace $0x8000004C;
	[dreg:$0x1] =	wrdreg $0xFFFFFFFF  }
0x34: {  	s28 =	simm.s32 $_size_execute0_lowered;
	s4 =	sadd.s32 s4, s6;
	[dreg:$0x0] =	wrdreg $0x0  }
0x35: {  	s6 =	sshll.u32 s28, $0x1;
	[dreg:$0x2] =	wrdreg s4  }
0x36: {  	[dreg:$0x3] =	wrdreg s6  }
0x37: {  	[dreg:$0x4] =	wrdreg $0xC0  }
0x38: {  	_ =	task [dreg:s23], $0x5FFFF  }
0x39: {  	[dreg:$0x1] =	wrdreg $0xFFFFFFFF  }
0x3a: {  	[dreg:$0x0] =	wrdreg $0x60  }
0x3b: {  	[dreg:$0x2] =	wrdreg s25  }
0x3c: {  	[dreg:$0x3] =	wrdreg s18  }
0x3d: {  	[dreg:$0x4] =	wrdreg $0xA  }
0x3e: {  	_ =	task.clear_ibuf [dreg:s23], $0x5FFFF;
	_ =	strace $0x9000004C  }
0x3f: {  	s29 =	simm.s32 $0xA;
	_ =	strace $0x8000004E  }
0x40: {  	_ =	swait.ge [sflag:s29], $0x1  }
0x41: {  	[sflag:s29] =	ssyncadd.s32 $0xFFFFFFFF  }
0x42: {  	_ =	strace $0x9000004E  }
0x43: {  	_ =	sfence  }
0x44: {  	s30 =	sld [smem:$0x0];
	_ =	sdelay $0x2  }
0x45: {  	s31 =	sshll.u32 s1, $0xD;
	s1 =	sshrl.u32 s1, $0x2  }
0x46: {  	s4 =	sand.u32 $0x4000, s31;
	s1 =	sadd.s32 s1, s30  }
0x47: {  	s0 =	sor.u32 s4, s0;
	s1 =	sshll.u32 s1, $0x11  }
0x48: {  	s0 =	sor.u32 s1, s0  }
0x49: {  	s0 =	sadd.s32 $0x8F2B, s0  }
0x4a: {  	[sflag:s0] =	ssyncadd.remote.s32 $0x1  }
0x4b: {  	_ =	sfence.sel $0xFFFF  }
0x4c: {  	[dreg:$0x0] =	wrdreg $0xFFFFFFFF;
	(pc) =	sbr.abs _section_cstart, $3  }
0x4d: {  	[dreg:$0x1] =	wrdreg $0xFFFFFFFF  }
0x4e: {  	_ =	task.clear_ibuf [dreg:s23], $0x2FFFF;
	_ =	strace $0x9FFFFFFF  }
0x4f: {  	(tm) =	ssettm $0x7FFFFFFF  }
tec
execute0_lowered:
.L_overlay_start_1:
0x0: {  	(tag) =	ssettag $0x1  }
0x1: {  	s0 =	stileid.u32;
	s6 =	rddreg [dreg:$0x0]  }
0x2: {  	s2 =	rddreg [dreg:$0x1];
	s5 =	srdreg.scid  }
0x3: {  	s31 =	simm.s32 $0x2;
	s13 =	simm.s32 $0x0;
	s1 =	sshll.u32 s0, $0x7  }
0x4: {  	s14 =	simm.s32 $0x0;
	s12 =	simm.s32 $0x0;
	s3 =	sand.u32 $0x380, s1  }
0x5: {  	s5 =	sshll.u32 s5, $0x4;
	s6 =	sadd.s32 $0x321A00, s6;
	s4 =	ssub.s32 $0x400, s3  }
0x6: {  	s1 =	rddreg [dreg:$0x2];
	_ =	strace $0x8000004D;
	s7 =	sand.u32 $0x380, s4  }
0x7: {  	s5 =	sand.u32 $0x10, s5;
	p0 =	sne.s32 s7, $0x0;
	s7 =	simm.s32 $0x1  }
.Ltmp0:
0x8: {  	s8 =	sshrl.u32 s4, $0xA;
	s7 =	simm.s32 @!p0 $0x0;
	(pc) =	sbr.rel .LBB1_1-.Ltmp0, $4  }
0x9: {  	s9 =	sor.u32 s0, s5;
	s4 =	simm.s32 $0x1;
	s30 =	sadd.s32 s7, s8  }
0xa: {  	s11 =	smov.u32 s3;
	[sflag:s4] =	ssyncpa.u1 $0x0;
	s5 =	smul.u32 $0x32, s30  }
0xb: {  	[sflag:s31] =	ssyncpa.u1 $0x0;
	p0 =	por $0x0, $0x0;
	s7 =	sshrl.u32 s9, $0x3  }
0xc: {  	s9 =	simm.s32 $0x2000;
	s10 =	smov.u32 s7;
	s8 =	sor.u32 $0x1, s5  }
.LBB1_4:
0xd: {  	s17 =	sand.u32 $0x1F80, s14;
	s13 =	sshll.u32 s13, $0xD  }
0xe: {  	[tilespmem:s16+$0x810 ss:$0x81] =	vst.msk $0xffff, v2;
	s18 =	sshrl.u32 s14, $0x3;
	s31 =	sand.u32 $0x7, s14;
	s17 =	sadd.s32 s2, s17  }
0xf: {  	[tilespmem:s16+$0x1020 ss:$0x81] =	vst.msk $0xffff, v0;
	s18 =	sand.u32 $0xF, s18;
	s14 =	sshll.u32 s31, $0x12;
	s13 =	sadd.s32 s13, s17  }
0x10: {  	[tilespmem:s16+$0x0 ss:$0x81] =	vst.msk $0xffff, v1;
	s14 =	sor.u32 $0x400, s14;
	s13 =	sadd.s32 s18, s13  }
0x11: {  	[hbm4b:s13+s14] =	stream.strided.scatter [tilespmem:s15], [sflag:$0x2], $0x2000, s9, s14, $0x20;
	[tilespmem:$0x8080] =	vst v63  }
.LBB1_5:
0x12: {  	s15 =	sadd.s32 $0x4, s10  }
0x13: {  	s13 =	sadd.s32 $0x400, s11;
	s17 =	smov.u32 s11;
	p2 =	sgt.s32 s15, $0xC7  }
0x14: {  	s17 =	smov.u32 @p2 s13  }
0x15: {  	s15 =	smov.u32 @p2 s7;
	p2 =	sgt.s32 s17, $0x3FF  }
0x16: {  	s17 =	smov.u32 @p2 s3;
	p2 =	sne.s32 s12, s8  }
.Ltmp1:
0x17: {  	p1 =	slt.u32 s12, $0x2;
	(pc) =	sbr.rel @!p2 .LBB1_6-.Ltmp1, $4  }
0x18: {  	s16 =	simm.s32 @!p1 $0x2  }
0x19: {  	s14 =	smov.u32 s11;
	p0 =	por !p0, !p0;
	_ =	swait.ge @!p1 [sflag:s16], $0x2000  }
0x1a: {  	s13 =	smov.u32 s10;
	[sflag:s16] =	ssyncset.done @!p1 $0x0;
	s10 =	smov.u32 s15  }
0x1b: {  	s12 =	sadd.s32 $0x1, s12;
	[sflag:s16] =	ssyncadd.s32 @!p1 $0xFFFFE000;
	s11 =	smov.u32 s17  }
.LBB1_1:
0x1c: {  	p1 =	sge.u32 s12, s5  }
0x1d: {  	s15 =	sand.u32 @!p1 $0x1FFFFFF, s10  }
0x1e: {  	s16 =	smulhi.u32 @!p1 $0x147AE15, s15;
	_ =	sdelay $0x1  }
0x1f: {  	s16 =	smul.u32 @!p1 $0xC8, s16  }
0x20: {  	s17 =	sxor.u32 @!p1 $0xFFFFFFFF, s12;
	s18 =	smul.u32 @!p1 $0xC80, s11  }
0x21: {  	s31 =	sadd.s32 $0xFFFFFFFF, s12;
	s17 =	sshll.u32 @!p1 s17, $0xD;
	s15 =	ssub.s32 @!p1 s15, s16  }
0x22: {  	s16 =	sand.u32 @!p1 $0x2000, s17;
	s17 =	sadd.s32 @!p1 s6, s18;
	s15 =	sshll.u32 @!p1 s15, $0x4  }
0x23: {  	s18 =	simm.s32 @!p1 $0x6400;
	s15 =	sadd.s32 @!p1 s15, s17;
	s17 =	simm.s32 @!p1 $0x40  }
0x24: {  	[tilespmem:s16], [sflag:$0x1] =	stream.strided.gather @!p1 [hbm4b:s15+s17], $0x2000, s18, s17, $0x38;
	[tilespmem:$0x8080] =	vst v63  }
0x25: {  	p1 =	sge.u32 s31, s5  }
.Ltmp2:
0x26: {  	_ = 	snop;
	(pc) =	sbr.rel @p1 .LBB1_5-.Ltmp2, $1  }
0x27: {  	_ =	sdelay $0x3  }
0x28: {  	s15 =	simm.s32 $0x1  }
0x29: {  	_ =	swait.ge [sflag:s4], $0x2000;
	s15 =	simm.s32 @!p0 $0x0  }
0x2a: {  	[sflag:s4] =	ssyncset.done $0x0;
	s16 =	sshll.u32 s15, $0xD  }
0x2b: {  	[sflag:s4] =	ssyncadd.s32 $0xFFFFE000;
	s19 =	sor.u32 $0x20, s16  }
0x2c: {  	s15 =	smul.u32 $0x8100, s15;
	v3 =	vld [tilespmem:s19+$0x10]  }
0x2d: {  	s30 =	sand.u32 $0x1, s12;
	v2 =	vld [tilespmem:s19+$0xFFFFFFF0]  }
0x2e: {  	s16 =	smul.u32 $0x8100, s30;
	s15 =	sshrl.u32 s15, $0x2;
	v0 =	vld [tilespmem:s19+$0x0]  }
0x2f: {  	v1 =	vld [tilespmem:s19+$0xFFFFFFE0];
	s17 =	sor.u32 $0x4000, s15  }
0x30: {  	s31 =	sshrl.u32 s16, $0x2;
	s16 =	sadd.s32 $0x0, s17  }
0x31: {  	s18 =	simm.s32 $0x4;
	s19 =	sadd.s32 $0x40, s19;
	s15 =	sor.u32 $0x4000, s31;
	[tilespmem:s16+$0x1830 ss:$0x81] =	vst.msk $0xffff, v3  }
.LBB1_3:
0x32: {  	v3 =	vld [tilespmem:s19+$0x10];
	p1 =	sne.s32 s18, $0x1FC;
	[tilespmem:s16+$0x810 ss:$0x81] =	vst.msk $0xffff, v2;
	s20 =	smov.u32 s18;
	s18 =	sadd.s32 $0x4, s18  }
.Ltmp3:
0x33: {  	v2 =	vld [tilespmem:s19+$0xFFFFFFF0];
	[tilespmem:s16+$0x1020 ss:$0x81] =	vst.msk $0xffff, v0;
	(pc) =	sbr.rel @p1 .LBB1_3-.Ltmp3, $4  }
0x34: {  	v0 =	vld [tilespmem:s19+$0x0];
	[tilespmem:s16+$0x0 ss:$0x81] =	vst.msk $0xffff, v1  }
0x35: {  	s16 =	sshra.s32 s20, $0x2;
	v1 =	vld [tilespmem:s19+$0xFFFFFFE0]  }
0x36: {  	s16 =	sadd.s32 s16, s17  }
0x37: {  	s19 =	sadd.s32 $0x40, s19;
	[tilespmem:s16+$0x1830 ss:$0x81] =	vst.msk $0xffff, v3  }
.Ltmp4:
0x38: {  	_ = 	snop;
	(pc) =	sbr.rel .LBB1_4-.Ltmp4, $1  }
0x39: {  	_ =	sdelay $0x3  }
.LBB1_6:
0x3a: {  	_ =	sfence.sel $0x180000  }
0x3b: {  	s2 =	simm.s32 $0x1;
	[bflag:$0x0] =	sbarrier.arrive $0xFFFF  }
0x3c: {  	s31 =	simm.s32 $0x2;
	[sflag:s2] =	ssyncpa.u1 $0x1  }
0x3d: {  	[sflag:s31] =	ssyncpa.u1 $0x1  }
0x3e: {  	p0 =	sne.s32 s0, $0x0;
	_ =	strace $0x9000004D  }
0x3f: {  	s0 =	sadd.s32 @!p0 $0x100000, s1;
	[bflag:$0x2] =	sbarrier.arrive $0xFFFF  }
0x40: {  	[sflag:s0] =	ssyncadd.tile.s32 @!p0 $0x1;
	_ =	shalt  }
.Lfunc_end1:
_tile_overlayer_lowered:
.L_overlay_start_2:
0x41: {  	(tag) =	ssettag $0x2  }
0x42: {  	s0 =	rddreg [dreg:$0x0];
	s2 =	stileid.u32  }
0x43: {  	s1 =	rddreg [dreg:$0x1];
	p0 =	sne.s32 s2, $0x0  }
0x44: {  	s3 =	rddreg [dreg:$0x2];
	[bflag:$0x3] =	sbarrier.arrive $0xFFFF;
	s2 =	simm.s32 @!p0 $0x1C01  }
0x45: {  	[timem:s3], [sflag:s2] =	dma.local @!p0 [hbm:s0], s1  }
0x46: {  	s0 =	simm.s32 @!p0 $0x1  }
0x47: {  	_ =	swait.ge @!p0 [sflag:s0], s1  }
0x48: {  	s1 =	ssub.s32 @!p0 $0x0, s1;
	[sflag:s0] =	ssyncset.done @!p0 $0x0  }
0x49: {  	[sflag:s0] =	ssyncadd.s32 @!p0 s1  }
0x4a: {  	[bflag:$0x3] =	sbarrier.arrive $0xFFFF  }
0x4b: {  	_ =	shalt  }

// kernel: sparse-core-data-format-call.cloned.1.call-start
scs
called_computation_lowered:
.L_overlay_start_0:
0x0: {  	s2 =	sld [smem:$0x3FD9]  }
0x1: {  	s3 =	sld [smem:$0x3FFE];
	_ =	sdelay $0x1  }
0x2: {  	s1 =	srdreg.scid  }
0x3: {  	s0 =	sand.u32 $0x1, s1  }
0x4: {  	s15 =	sshll.u32 s0, $0xA;
	s2 =	sadd.s32 s3, s2  }
0x5: {  	s2 =	sadd.s32 s2, s15  }
0x6: {  	[smem:$0x3FC5] =	sst s2  }
0x7: {  	_ = 	snop  }
0x8: {  	s2 =	sld [smem:$0x3FD0];
	_ =	sdelay $0x2  }
0x9: {  	s16 =	simm.s32 $0xB;
	s4 =	simm.s32 $0x10  }
0xa: {  	[smem:s4], [sflag:s16] =	dma.local [hbm:s2], $0x1  }
0xb: {  	_ =	swait.eq [sflag:s16], $0x1  }
0xc: {  	[sflag:s16] =	ssyncset.done $0x0  }
0xd: {  	[sflag:s16] =	ssyncadd.s32 $0xFFFFFFFF  }
0xe: {  	s17 =	sld [smem:$0x11];
	(tm) =	ssettm $0x1  }
0xf: {  	s18 =	sld [smem:$0x3FFB];
	_ =	sdelay $0x3  }
0x10: {  	_ =	strace s18  }
0x11: {  	s3 =	sld [smem:$0x3FFC];
	_ =	sdelay $0x3  }
0x12: {  	_ =	strace s3  }
0x13: {  	s3 =	sld [smem:$0x3FFD];
	_ =	sdelay $0x3  }
0x14: {  	_ =	strace s3  }
0x15: {  	_ =	strace $0x8FFFFFFF  }
0x16: {  	s19 =	sld [smem:$0x3FDB];
	_ =	sdelay $0x1  }
0x17: {  	s20 =	simm.s32 $_scs_section_size  }
0x18: {  	s5 =	simm.s32 $_size__tile_overlayer_lowered;
	s6 =	simm.s32 $_tile_overlayer_lowered  }
0x19: {  	s23 =	simm.s32 $0x1BFF;
	s22 =	sshll.u32 s6, $0x1;
	s3 =	sadd.s32 s20, s19  }
0x1a: {  	s7 =	simm.s32 $0x0;
	s21 =	sshll.u32 s5, $0x1;
	s5 =	sadd.s32 s22, s3  }
0x1b: {  	[timem:s7], [sflag:s23] =	dma.local [hbm:s5], s21  }
0x1c: {  	_ =	swait.ge [sflag:s23], s21  }
0x1d: {  	s4 =	ssub.s32 $0x0, s21;
	[sflag:s23] =	ssyncset.done $0x0  }
0x1e: {  	[sflag:s23] =	ssyncadd.s32 s4;
	_ =	sdelay $0x1  }
0x1f: {  	s24 =	simm.s32 $0x1B8B  }
0x20: {  	_ =	swait.ge [sflag:s24], $0x1  }
0x21: {  	[sflag:s24] =	ssyncset.done $0x0  }
0x22: {  	s26 =	simm.s32 $0x1B8E;
	s25 =	sld [smem:$0x3FFE];
	[sflag:s24] =	ssyncadd.s32 $0xFFFFFFFF  }
0x23: {  	s27 =	simm.s32 $execute0_lowered;
	[smem:$0x3FD2] =	sst s26  }
0x24: {  	s5 =	sshll.u32 s27, $0x1;
	_ =	strace $0x80000049;
	[dreg:$0x1] =	wrdreg $0xFFFFFFFF  }
0x25: {  	s28 =	simm.s32 $_size_execute0_lowered;
	s3 =	sadd.s32 s3, s5;
	[dreg:$0x0] =	wrdreg $0x0  }
0x26: {  	s5 =	sshll.u32 s28, $0x1;
	[dreg:$0x2] =	wrdreg s3  }
0x27: {  	[dreg:$0x3] =	wrdreg s5  }
0x28: {  	[dreg:$0x4] =	wrdreg $0xC0  }
0x29: {  	_ =	task [dreg:s7], $0x5FFFF  }
0x2a: {  	[dreg:$0x1] =	wrdreg $0xFFFFFFFF  }
0x2b: {  	[dreg:$0x0] =	wrdreg $0x60  }
0x2c: {  	[dreg:$0x2] =	wrdreg s25  }
0x2d: {  	[dreg:$0x3] =	wrdreg s17  }
0x2e: {  	[dreg:$0x4] =	wrdreg $0x9  }
0x2f: {  	_ =	task.clear_ibuf [dreg:s7], $0x5FFFF;
	_ =	strace $0x90000049  }
0x30: {  	s29 =	simm.s32 $0x9;
	_ =	strace $0x8000004B  }
0x31: {  	_ =	swait.ge [sflag:s29], $0x1  }
0x32: {  	[sflag:s29] =	ssyncadd.s32 $0xFFFFFFFF  }
0x33: {  	_ =	strace $0x9000004B  }
0x34: {  	_ =	sfence  }
0x35: {  	s30 =	sld [smem:$0x0];
	_ =	sdelay $0x2  }
0x36: {  	s31 =	sshll.u32 s1, $0xD;
	s1 =	sshrl.u32 s1, $0x2  }
0x37: {  	s3 =	sand.u32 $0x4000, s31;
	s1 =	sadd.s32 s1, s30  }
0x38: {  	s0 =	sor.u32 s3, s0;
	s1 =	sshll.u32 s1, $0x11  }
0x39: {  	s0 =	sor.u32 s1, s0  }
0x3a: {  	s0 =	sadd.s32 $0x8F2B, s0  }
0x3b: {  	[sflag:s0] =	ssyncadd.remote.s32 $0x1  }
0x3c: {  	_ =	sfence.sel $0xFFFF  }
0x3d: {  	[dreg:$0x0] =	wrdreg $0xFFFFFFFF;
	(pc) =	sbr.abs _section_cstart, $3  }
0x3e: {  	[dreg:$0x1] =	wrdreg $0xFFFFFFFF  }
0x3f: {  	_ =	task.clear_ibuf [dreg:s7], $0x2FFFF;
	_ =	strace $0x9FFFFFFF  }
0x40: {  	(tm) =	ssettm $0x7FFFFFFF  }
0x41: {  	_ =	shalt  }
tec
execute0_lowered:
.L_overlay_start_1:
0x0: {  	(tag) =	ssettag $0x1  }
0x1: {  	s0 =	stileid.u32;
	s6 =	rddreg [dreg:$0x0]  }
0x2: {  	s2 =	rddreg [dreg:$0x1];
	s5 =	srdreg.scid  }
0x3: {  	s31 =	simm.s32 $0x2;
	s13 =	simm.s32 $0x0;
	s1 =	sshll.u32 s0, $0x7  }
0x4: {  	s14 =	simm.s32 $0x0;
	s12 =	simm.s32 $0x0;
	s3 =	sand.u32 $0x380, s1  }
0x5: {  	s5 =	sshll.u32 s5, $0x4;
	s6 =	sadd.s32 $0x1A00, s6;
	s4 =	ssub.s32 $0x400, s3  }
0x6: {  	s1 =	rddreg [dreg:$0x2];
	_ =	strace $0x8000004A;
	s7 =	sand.u32 $0x380, s4  }
0x7: {  	s5 =	sand.u32 $0x10, s5;
	p0 =	sne.s32 s7, $0x0;
	s7 =	simm.s32 $0x1  }
.Ltmp0:
0x8: {  	s8 =	sshrl.u32 s4, $0xA;
	s7 =	simm.s32 @!p0 $0x0;
	(pc) =	sbr.rel .LBB1_1-.Ltmp0, $4  }
0x9: {  	s9 =	sor.u32 s0, s5;
	s4 =	simm.s32 $0x1;
	s30 =	sadd.s32 s7, s8  }
0xa: {  	s11 =	smov.u32 s3;
	[sflag:s4] =	ssyncpa.u1 $0x0;
	s5 =	smul.u32 $0x32, s30  }
0xb: {  	[sflag:s31] =	ssyncpa.u1 $0x0;
	p0 =	por $0x0, $0x0;
	s7 =	sshrl.u32 s9, $0x3  }
0xc: {  	s9 =	simm.s32 $0x2000;
	s10 =	smov.u32 s7;
	s8 =	sor.u32 $0x1, s5  }
.LBB1_4:
0xd: {  	s17 =	sand.u32 $0x1F80, s14;
	s13 =	sshll.u32 s13, $0xD  }
0xe: {  	[tilespmem:s16+$0x810 ss:$0x81] =	vst.msk $0xffff, v2;
	s18 =	sshrl.u32 s14, $0x3;
	s31 =	sand.u32 $0x7, s14;
	s17 =	sadd.s32 s2, s17  }
0xf: {  	[tilespmem:s16+$0x1020 ss:$0x81] =	vst.msk $0xffff, v0;
	s18 =	sand.u32 $0xF, s18;
	s14 =	sshll.u32 s31, $0x12;
	s13 =	sadd.s32 s13, s17  }
0x10: {  	[tilespmem:s16+$0x0 ss:$0x81] =	vst.msk $0xffff, v1;
	s14 =	sor.u32 $0x400, s14;
	s13 =	sadd.s32 s18, s13  }
0x11: {  	[hbm4b:s13+s14] =	stream.strided.scatter [tilespmem:s15], [sflag:$0x2], $0x2000, s9, s14, $0x20;
	[tilespmem:$0x8080] =	vst v63  }
.LBB1_5:
0x12: {  	s15 =	sadd.s32 $0x4, s10  }
0x13: {  	s13 =	sadd.s32 $0x400, s11;
	s17 =	smov.u32 s11;
	p2 =	sgt.s32 s15, $0xC7  }
0x14: {  	s17 =	smov.u32 @p2 s13  }
0x15: {  	s15 =	smov.u32 @p2 s7;
	p2 =	sgt.s32 s17, $0x3FF  }
0x16: {  	s17 =	smov.u32 @p2 s3;
	p2 =	sne.s32 s12, s8  }
.Ltmp1:
0x17: {  	p1 =	slt.u32 s12, $0x2;
	(pc) =	sbr.rel @!p2 .LBB1_6-.Ltmp1, $4  }
0x18: {  	s16 =	simm.s32 @!p1 $0x2  }
0x19: {  	s14 =	smov.u32 s11;
	p0 =	por !p0, !p0;
	_ =	swait.ge @!p1 [sflag:s16], $0x2000  }
0x1a: {  	s13 =	smov.u32 s10;
	[sflag:s16] =	ssyncset.done @!p1 $0x0;
	s10 =	smov.u32 s15  }
0x1b: {  	s12 =	sadd.s32 $0x1, s12;
	[sflag:s16] =	ssyncadd.s32 @!p1 $0xFFFFE000;
	s11 =	smov.u32 s17  }
.LBB1_1:
0x1c: {  	p1 =	sge.u32 s12, s5  }
0x1d: {  	s15 =	sand.u32 @!p1 $0x1FFFFFF, s10  }
0x1e: {  	s16 =	smulhi.u32 @!p1 $0x147AE15, s15;
	_ =	sdelay $0x1  }
0x1f: {  	s16 =	smul.u32 @!p1 $0xC8, s16  }
0x20: {  	s17 =	sxor.u32 @!p1 $0xFFFFFFFF, s12;
	s18 =	smul.u32 @!p1 $0xC80, s11  }
0x21: {  	s31 =	sadd.s32 $0xFFFFFFFF, s12;
	s17 =	sshll.u32 @!p1 s17, $0xD;
	s15 =	ssub.s32 @!p1 s15, s16  }
0x22: {  	s16 =	sand.u32 @!p1 $0x2000, s17;
	s17 =	sadd.s32 @!p1 s6, s18;
	s15 =	sshll.u32 @!p1 s15, $0x4  }
0x23: {  	s18 =	simm.s32 @!p1 $0x6400;
	s15 =	sadd.s32 @!p1 s15, s17;
	s17 =	simm.s32 @!p1 $0x40  }
0x24: {  	[tilespmem:s16], [sflag:$0x1] =	stream.strided.gather @!p1 [hbm4b:s15+s17], $0x2000, s18, s17, $0x38;
	[tilespmem:$0x8080] =	vst v63  }
0x25: {  	p1 =	sge.u32 s31, s5  }
.Ltmp2:
0x26: {  	_ = 	snop;
	(pc) =	sbr.rel @p1 .LBB1_5-.Ltmp2, $1  }
0x27: {  	_ =	sdelay $0x3  }
0x28: {  	s15 =	simm.s32 $0x1  }
0x29: {  	_ =	swait.ge [sflag:s4], $0x2000;
	s15 =	simm.s32 @!p0 $0x0  }
0x2a: {  	[sflag:s4] =	ssyncset.done $0x0;
	s16 =	sshll.u32 s15, $0xD  }
0x2b: {  	[sflag:s4] =	ssyncadd.s32 $0xFFFFE000;
	s19 =	sor.u32 $0x20, s16  }
0x2c: {  	s15 =	smul.u32 $0x8100, s15;
	v3 =	vld [tilespmem:s19+$0x10]  }
0x2d: {  	s30 =	sand.u32 $0x1, s12;
	v2 =	vld [tilespmem:s19+$0xFFFFFFF0]  }
0x2e: {  	s16 =	smul.u32 $0x8100, s30;
	s15 =	sshrl.u32 s15, $0x2;
	v0 =	vld [tilespmem:s19+$0x0]  }
0x2f: {  	v1 =	vld [tilespmem:s19+$0xFFFFFFE0];
	s17 =	sor.u32 $0x4000, s15  }
0x30: {  	s31 =	sshrl.u32 s16, $0x2;
	s16 =	sadd.s32 $0x0, s17  }
0x31: {  	s18 =	simm.s32 $0x4;
	s19 =	sadd.s32 $0x40, s19;
	s15 =	sor.u32 $0x4000, s31;
	[tilespmem:s16+$0x1830 ss:$0x81] =	vst.msk $0xffff, v3  }
.LBB1_3:
0x32: {  	v3 =	vld [tilespmem:s19+$0x10];
	p1 =	sne.s32 s18, $0x1FC;
	[tilespmem:s16+$0x810 ss:$0x81] =	vst.msk $0xffff, v2;
	s20 =	smov.u32 s18;
	s18 =	sadd.s32 $0x4, s18  }
.Ltmp3:
0x33: {  	v2 =	vld [tilespmem:s19+$0xFFFFFFF0];
	[tilespmem:s16+$0x1020 ss:$0x81] =	vst.msk $0xffff, v0;
	(pc) =	sbr.rel @p1 .LBB1_3-.Ltmp3, $4  }
0x34: {  	v0 =	vld [tilespmem:s19+$0x0];
	[tilespmem:s16+$0x0 ss:$0x81] =	vst.msk $0xffff, v1  }
0x35: {  	s16 =	sshra.s32 s20, $0x2;
	v1 =	vld [tilespmem:s19+$0xFFFFFFE0]  }
0x36: {  	s16 =	sadd.s32 s16, s17  }
0x37: {  	s19 =	sadd.s32 $0x40, s19;
	[tilespmem:s16+$0x1830 ss:$0x81] =	vst.msk $0xffff, v3  }
.Ltmp4:
0x38: {  	_ = 	snop;
	(pc) =	sbr.rel .LBB1_4-.Ltmp4, $1  }
0x39: {  	_ =	sdelay $0x3  }
.LBB1_6:
0x3a: {  	_ =	sfence.sel $0x180000  }
0x3b: {  	s2 =	simm.s32 $0x1;
	[bflag:$0x0] =	sbarrier.arrive $0xFFFF  }
0x3c: {  	s31 =	simm.s32 $0x2;
	[sflag:s2] =	ssyncpa.u1 $0x1  }
0x3d: {  	[sflag:s31] =	ssyncpa.u1 $0x1  }
0x3e: {  	p0 =	sne.s32 s0, $0x0;
	_ =	strace $0x9000004A  }
0x3f: {  	s0 =	sadd.s32 @!p0 $0x100000, s1;
	[bflag:$0x2] =	sbarrier.arrive $0xFFFF  }
0x40: {  	[sflag:s0] =	ssyncadd.tile.s32 @!p0 $0x1;
	_ =	shalt  }
.Lfunc_end1:
_tile_overlayer_lowered:
.L_overlay_start_2:
0x41: {  	(tag) =	ssettag $0x2  }
0x42: {  	s0 =	rddreg [dreg:$0x0];
	s2 =	stileid.u32  }
0x43: {  	s1 =	rddreg [dreg:$0x1];
	p0 =	sne.s32 s2, $0x0  }
0x44: {  	s3 =	rddreg [dreg:$0x2];
	[bflag:$0x3] =	sbarrier.arrive $0xFFFF;
	s2 =	simm.s32 @!p0 $0x1C01  }
0x45: {  	[timem:s3], [sflag:s2] =	dma.local @!p0 [hbm:s0], s1  }
0x46: {  	s0 =	simm.s32 @!p0 $0x1  }
0x47: {  	_ =	swait.ge @!p0 [sflag:s0], s1  }
0x48: {  	s1 =	ssub.s32 @!p0 $0x0, s1;
	[sflag:s0] =	ssyncset.done @!p0 $0x0  }
0x49: {  	[sflag:s0] =	ssyncadd.s32 @!p0 s1  }
0x4a: {  	[bflag:$0x3] =	sbarrier.arrive $0xFFFF  }
0x4b: {  	_ =	shalt  }

</sc_bundles>
